<compile_context>
chip_gen: v7x
topology: tpu7x:2x2x1
jax: 0.10.2.dev20260603
libtpu: 0.0.44.dev20260713+nightly
codegen_flags: <defaults>
</compile_context>

<pallas_src>
import functools

import jax
import jax.numpy as jnp
from jax import lax
from jax.experimental import pallas as pl
from jax.experimental.pallas import tpu as pltpu
from jax.experimental.pallas import tpu_sc as plsc

N = 10000
E = 320000
D_IN = 128
HEADS = 8
HID = 16

NC = 2
NS = 16
NW = NC * NS
NPAD = 10240
EPAD = 327680
EW = EPAD // NW
S = 128
CS = EW // S
ROWS_T = NPAD // NS

_SLOPE = 0.2


def _lrelu(v):
    return jnp.maximum(v, _SLOPE * v)


def _take16(v, idx):
    dn = lax.GatherDimensionNumbers(
        offset_dims=(), collapsed_slice_dims=(0,), start_index_map=(0,))
    return lax.gather(v, idx[:, None], dn, slice_sizes=(1,),
                      mode=lax.GatherScatterMode.PROMISE_IN_BOUNDS)


def _tc1_body(x_ref, w1_ref, a_ref, h_ref, comb_ref, maxc_ref):
    h = jnp.dot(x_ref[...], w1_ref[...], preferred_element_type=jnp.float32)
    h_ref[...] = h
    comb = jnp.dot(h, a_ref[...], preferred_element_type=jnp.float32)
    comb_ref[...] = comb
    maxc_ref[...] = jnp.max(comb, axis=0, keepdims=True)


def _tc1(xp, W1, A):
    return pl.pallas_call(
        _tc1_body,
        out_shape=(
            jax.ShapeDtypeStruct((NPAD, 128), jnp.float32),
            jax.ShapeDtypeStruct((NPAD, 16), jnp.float32),
            jax.ShapeDtypeStruct((1, 16), jnp.float32),
        ),
    )(xp, W1, A)


def _sc1_body(src_hbm, dst_hbm, comb_hbm, h_hbm, m_hbm, zn_hbm, znd_hbm,
              nump_hbm, denp_hbm,
              srci_v, dsti_v, ag_v, bg_v, wg_v, hg_v, m_v,
              num_sp, den_sp):
    cid = lax.axis_index("c")
    sid = lax.axis_index("s")
    wid = sid * NC + cid

    r0 = sid * ROWS_T
    pltpu.sync_copy(zn_hbm.at[pl.ds(r0, ROWS_T), :], num_sp.at[pl.ds(r0, ROWS_T), :])
    pltpu.sync_copy(znd_hbm.at[pl.ds(r0, ROWS_T), :], den_sp.at[pl.ds(r0, ROWS_T), :])
    pltpu.sync_copy(m_hbm, m_v)
    plsc.subcore_barrier()

    mvec = m_v[...]
    pidx = (lax.iota(jnp.int32, 16) & 7) + 8

    row0 = wid * CS

    def chunk(j, carry):
        pltpu.sync_copy(src_hbm.at[row0 + j], srci_v.at[0])
        pltpu.sync_copy(dst_hbm.at[row0 + j], dsti_v.at[0])
        pltpu.sync_copy(comb_hbm.at[srci_v.at[0]], ag_v)
        pltpu.sync_copy(comb_hbm.at[dsti_v.at[0]], bg_v)
        pltpu.sync_copy(h_hbm.at[srci_v.at[0]], hg_v)

        def edge(r, c2):
            a = ag_v[r, :]
            b = bg_v[r, :]
            e = a + _take16(b, pidx)
            w = jnp.exp(_lrelu(e) - mvec)
            wg_v[r, :] = w
            for k in range(HEADS):
                hk = hg_v[r, pl.ds(16 * k, 16)]
                wk = _take16(w, jnp.full((16,), k, jnp.int32))
                hg_v[r, pl.ds(16 * k, 16)] = hk * wk
            return c2

        lax.fori_loop(0, S, edge, 0)

        pltpu.sync_copy(hg_v, num_sp.at[dsti_v.at[0]], add=True)
        pltpu.sync_copy(wg_v, den_sp.at[dsti_v.at[0]], add=True)
        return carry

    lax.fori_loop(0, CS, chunk, 0)

    plsc.subcore_barrier()
    pltpu.sync_copy(num_sp.at[pl.ds(r0, ROWS_T), :],
                    nump_hbm.at[cid, pl.ds(r0, ROWS_T), :])
    pltpu.sync_copy(den_sp.at[pl.ds(r0, ROWS_T), :],
                    denp_hbm.at[cid, pl.ds(r0, ROWS_T), :])


def _sc1(src2d, dst2d, comb, h, m16, zn, znd):
    mesh = plsc.VectorSubcoreMesh(core_axis_name="c", subcore_axis_name="s")
    f = pl.kernel(
        _sc1_body,
        out_type=(
            jax.ShapeDtypeStruct((NC, NPAD, 128), jnp.float32),
            jax.ShapeDtypeStruct((NC, NPAD, 16), jnp.float32),
        ),
        mesh=mesh,
        compiler_params=pltpu.CompilerParams(use_tc_tiling_on_sc=False),
        scratch_types=[
            pltpu.VMEM((1, S), jnp.int32),
            pltpu.VMEM((1, S), jnp.int32),
            pltpu.VMEM((S, 16), jnp.float32),
            pltpu.VMEM((S, 16), jnp.float32),
            pltpu.VMEM((S, 16), jnp.float32),
            pltpu.VMEM((S, 128), jnp.float32),
            pltpu.VMEM((16,), jnp.float32),
            pltpu.VMEM_SHARED((NPAD, 128), jnp.float32),
            pltpu.VMEM_SHARED((NPAD, 16), jnp.float32),
        ],
    )
    return f(src2d, dst2d, comb, h, m16, zn, znd)


def _tc2_body(nump_ref, denp_ref, r_ref, b1_ref, w2_ref,
              h2_ref, mx_ref, mn_ref):
    num = nump_ref[0] + nump_ref[1]
    den = denp_ref[0] + denp_ref[1]
    denrep = jnp.dot(den, r_ref[...], preferred_element_type=jnp.float32)
    h1 = jax.nn.relu(num / (denrep + 1e-16) + b1_ref[...])
    rows = lax.broadcasted_iota(jnp.int32, (NPAD, 128), 0)
    h1 = jnp.where(rows < N, h1, 0.0)
    h2 = jnp.dot(h1, w2_ref[...], preferred_element_type=jnp.float32)
    h2_ref[...] = h2
    rows1 = lax.broadcasted_iota(jnp.int32, (NPAD, 1), 0)
    mx_ref[...] = jnp.max(jnp.where(rows1 < N, h2, -jnp.inf), axis=0,
                          keepdims=True)
    mn_ref[...] = jnp.min(jnp.where(rows1 < N, h2, jnp.inf), axis=0,
                          keepdims=True)


def _tc2(nump, denp, R, b1row, W2):
    return pl.pallas_call(
        _tc2_body,
        out_shape=(
            jax.ShapeDtypeStruct((NPAD, 1), jnp.float32),
            jax.ShapeDtypeStruct((1, 1), jnp.float32),
            jax.ShapeDtypeStruct((1, 1), jnp.float32),
        ),
    )(nump, denp, R, b1row, W2)


def _sc2_body(src_hbm, dst_hbm, h2_hbm, c2_hbm, z1_hbm,
              num2_hbm, den2_hbm,
              srcb_v, dstb_v, h2_v, c2_v, wbuf_v, pbuf_v,
              num_sp, den_sp):
    cid = lax.axis_index("c")
    sid = lax.axis_index("s")
    wid = sid * NC + cid

    r0 = sid * ROWS_T
    pltpu.sync_copy(z1_hbm.at[pl.ds(r0, ROWS_T)], num_sp.at[pl.ds(r0, ROWS_T)])
    pltpu.sync_copy(z1_hbm.at[pl.ds(r0, ROWS_T)], den_sp.at[pl.ds(r0, ROWS_T)])
    pltpu.sync_copy(h2_hbm, h2_v)
    pltpu.sync_copy(c2_hbm, c2_v)
    row0 = wid * CS
    pltpu.sync_copy(src_hbm.at[pl.ds(row0, CS), :], srcb_v)
    pltpu.sync_copy(dst_hbm.at[pl.ds(row0, CS), :], dstb_v)
    plsc.subcore_barrier()

    c2 = c2_v[...]
    as2 = _take16(c2, jnp.full((16,), 0, jnp.int32))
    ad2 = _take16(c2, jnp.full((16,), 1, jnp.int32))
    m2 = _take16(c2, jnp.full((16,), 2, jnp.int32))

    def chunk(j, carry):
        def group(g, c2_):
            si = srcb_v[j, pl.ds(16 * g, 16)]
            di = dstb_v[j, pl.ds(16 * g, 16)]
            hs = plsc.load_gather(h2_v, [si])
            hd = plsc.load_gather(h2_v, [di])
            w = jnp.exp(_lrelu(as2 * hs + ad2 * hd) - m2)
            wbuf_v[pl.ds(16 * g, 16)] = w
            pbuf_v[pl.ds(16 * g, 16)] = w * hs
            return c2_

        lax.fori_loop(0, S // 16, group, 0)
        pltpu.sync_copy(wbuf_v, den_sp.at[dstb_v.at[j]], add=True)
        pltpu.sync_copy(pbuf_v, num_sp.at[dstb_v.at[j]], add=True)
        return carry

    lax.fori_loop(0, CS, chunk, 0)

    plsc.subcore_barrier()
    pltpu.sync_copy(num_sp.at[pl.ds(r0, ROWS_T)],
                    num2_hbm.at[cid, pl.ds(r0, ROWS_T)])
    pltpu.sync_copy(den_sp.at[pl.ds(r0, ROWS_T)],
                    den2_hbm.at[cid, pl.ds(r0, ROWS_T)])


def _sc2(src2d, dst2d, h2v, c2v, z1):
    mesh = plsc.VectorSubcoreMesh(core_axis_name="c", subcore_axis_name="s")
    f = pl.kernel(
        _sc2_body,
        out_type=(
            jax.ShapeDtypeStruct((NC, NPAD), jnp.float32),
            jax.ShapeDtypeStruct((NC, NPAD), jnp.float32),
        ),
        mesh=mesh,
        compiler_params=pltpu.CompilerParams(needs_layout_passes=False),
        scratch_types=[
            pltpu.VMEM((CS, S), jnp.int32),
            pltpu.VMEM((CS, S), jnp.int32),
            pltpu.VMEM((NPAD,), jnp.float32),
            pltpu.VMEM((16,), jnp.float32),
            pltpu.VMEM((S,), jnp.float32),
            pltpu.VMEM((S,), jnp.float32),
            pltpu.VMEM_SHARED((NPAD,), jnp.float32),
            pltpu.VMEM_SHARED((NPAD,), jnp.float32),
        ],
    )
    return f(src2d, dst2d, h2v, c2v, z1)


def _tc3_body(n2_ref, d2_ref, b2_ref, out_ref):
    num = n2_ref[0] + n2_ref[1]
    den = d2_ref[0] + d2_ref[1]
    out_ref[...] = num / (den + 1e-16) + b2_ref[0, 0]


def _tc3(n2, d2, b2):
    return pl.pallas_call(
        _tc3_body,
        out_shape=jax.ShapeDtypeStruct((NPAD // 128, 128), jnp.float32),
    )(n2, d2, b2)


def kernel(x, edge_index, W1, a_src1, a_dst1, b1, W2, a_src2, a_dst2, b2):
    f32 = jnp.float32
    x = x.astype(f32)
    xp = jnp.pad(x, ((0, NPAD - N), (0, 0)))

    eye = jnp.eye(HEADS, dtype=f32)
    A_src = (eye[:, None, :] * a_src1.astype(f32)[:, :, None]).reshape(128, 8)
    A_dst = (eye[:, None, :] * a_dst1.astype(f32)[:, :, None]).reshape(128, 8)
    A = jnp.concatenate([A_src, A_dst], axis=1)

    src = edge_index[0].astype(jnp.int32)
    dst = edge_index[1].astype(jnp.int32)
    src2d = jnp.pad(src, (0, EPAD - E), constant_values=N).reshape(EPAD // S, S)
    dst2d = jnp.pad(dst, (0, EPAD - E), constant_values=N).reshape(EPAD // S, S)

    h, comb, maxc = _tc1(xp, W1.astype(f32), A)

    m8 = _lrelu(maxc[0, :8] + maxc[0, 8:])
    m16 = jnp.concatenate([m8, m8])

    zn = jnp.zeros((NPAD, 128), f32)
    znd = jnp.zeros((NPAD, 16), f32)
    nump, denp = _sc1(src2d, dst2d, comb, h, m16, zn, znd)

    ch = jnp.arange(128) // 16
    R = (jnp.arange(16)[:, None] == ch[None, :]).astype(f32)
    b1row = b1.astype(f32).reshape(1, 128)
    h2c, mx, mn = _tc2(nump, denp, R, b1row, W2.astype(f32))

    as2 = a_src2.astype(f32)[0, 0]
    ad2 = a_dst2.astype(f32)[0, 0]
    mxs, mns = mx[0, 0], mn[0, 0]
    m2 = _lrelu(jnp.maximum(as2 * mxs, as2 * mns)
                + jnp.maximum(ad2 * mxs, ad2 * mns))
    c2v = jnp.stack([as2, ad2, m2])
    c2v = jnp.pad(c2v, (0, 13))

    h2v = h2c.reshape(NPAD)
    z1 = jnp.zeros((NPAD,), f32)
    num2, den2 = _sc2(src2d, dst2d, h2v, c2v, z1)

    out = _tc3(num2.reshape(NC, NPAD // 128, 128),
               den2.reshape(NC, NPAD // 128, 128),
               b2.astype(f32).reshape(1, 1))
    return out.reshape(NPAD)[:N, None]

# --- scband reference (transcript-rebuilt; emitter-appended) ---
"""Pipeline reference for scband-gatfor-multiple-choice-42039139893746 (READ-ONLY COPY).

The authoritative reference and input builder live on the scoring server;
editing this copy changes nothing except your own understanding.
"""

import jax, jax.numpy as jnp
import numpy as np

N = 10000
E = 320000
D_IN = 128
HEADS = 8
HID = 16


def gat_conv(x, src, dst, W, a_src, a_dst, b, heads, out_ch, concat, n_nodes):
    # PyG-style GATConv: h = x W, per-head additive attention, softmax over incoming edges (dst)
    h = (x @ W).reshape(n_nodes, heads, out_ch)
    alpha_src = (h * a_src).sum(-1)  # [N, H]
    alpha_dst = (h * a_dst).sum(-1)  # [N, H]
    e = alpha_src[src] + alpha_dst[dst]  # [E, H]
    e = jax.nn.leaky_relu(e, negative_slope=0.2)
    m = jax.ops.segment_max(e, dst, num_segments=n_nodes)
    m = jnp.where(jnp.isfinite(m), m, 0.0)
    e = jnp.exp(e - m[dst])
    denom = jax.ops.segment_sum(e, dst, num_segments=n_nodes)
    alpha = e / (denom[dst] + 1e-16)  # [E, H]
    msg = h[src] * alpha[..., None]  # [E, H, C]
    out = jax.ops.segment_sum(msg, dst, num_segments=n_nodes)  # [N, H, C]
    if concat:
        out = out.reshape(n_nodes, heads * out_ch)
    else:
        out = out.mean(axis=1)
    return out + b


def setup_inputs(seed: int = 0) -> dict:
    key = jax.random.key(seed)
    ks = jax.random.split(key, 12)
    x = jax.random.normal(ks[0], (N, D_IN), dtype=jnp.float32)
    edge_index = jax.random.randint(ks[1], (2, E), 0, N, dtype=jnp.int64 if jax.config.jax_enable_x64 else jnp.int32).astype(jnp.int32)
    s = 1.0 / np.sqrt(D_IN)
    W1 = jax.random.normal(ks[2], (D_IN, HEADS * HID), dtype=jnp.float32) * s
    a_src1 = jax.random.normal(ks[3], (HEADS, HID), dtype=jnp.float32) * s
    a_dst1 = jax.random.normal(ks[4], (HEADS, HID), dtype=jnp.float32) * s
    b1 = jnp.zeros((HEADS * HID,), dtype=jnp.float32)
    s2 = 1.0 / np.sqrt(HEADS * HID)
    W2 = jax.random.normal(ks[5], (HEADS * HID, 1), dtype=jnp.float32) * s2
    a_src2 = jax.random.normal(ks[6], (1, 1), dtype=jnp.float32) * s2
    a_dst2 = jax.random.normal(ks[7], (1, 1), dtype=jnp.float32) * s2
    b2 = jnp.zeros((1,), dtype=jnp.float32)
    return {"x": x, "edge_index": edge_index, "W1": W1, "a_src1": a_src1, "a_dst1": a_dst1, "b1": b1, "W2": W2, "a_src2": a_src2, "a_dst2": a_dst2, "b2": b2}


def reference(x, edge_index, W1, a_src1, a_dst1, b1, W2, a_src2, a_dst2, b2):
    src = edge_index[0]
    dst = edge_index[1]
    h = gat_conv(x, src, dst, W1, a_src1, a_dst1, b1, HEADS, HID, True, N)
    h = jax.nn.relu(h)
    # dropout omitted (eval mode)
    out = gat_conv(h, src, dst, W2, a_src2, a_dst2, b2, 1, 1, False, N)  # [N, 1]
    return out

if __name__ == "__main__":
    import jax
    _d = setup_inputs()
    print(jax.jit(kernel)(*tuple(_d.values())))

</pallas_src>

<mosaic_0001>
#map = affine_map<(d0, d1) -> (0, 0)>
#map1 = affine_map<(d0, d1) -> (0)>
#map2 = affine_map<(d0, d1) -> (0, 0, 0)>
module attributes {stable_mosaic.version = 14 : i64} {
  func.func @_sc1_body(%arg0: i32, %arg1: i32, %arg2: memref<2560x128xi32, #tpu.memory_space<hbm>>, %arg3: memref<2560x128xi32, #tpu.memory_space<hbm>>, %arg4: memref<10240x16xf32, #tpu.memory_space<hbm>>, %arg5: memref<10240x128xf32, #tpu.memory_space<hbm>>, %arg6: memref<16xf32, #tpu.memory_space<hbm>>, %arg7: memref<10240x128xf32, #tpu.memory_space<hbm>>, %arg8: memref<10240x16xf32, #tpu.memory_space<hbm>>, %arg9: memref<2x10240x128xf32, #tpu.memory_space<hbm>>, %arg10: memref<2x10240x16xf32, #tpu.memory_space<hbm>>, %arg11: memref<1x128xi32, #tpu.memory_space<vmem>>, %arg12: memref<1x128xi32, #tpu.memory_space<vmem>>, %arg13: memref<128x16xf32, #tpu.memory_space<vmem>>, %arg14: memref<128x16xf32, #tpu.memory_space<vmem>>, %arg15: memref<128x16xf32, #tpu.memory_space<vmem>>, %arg16: memref<128x128xf32, #tpu.memory_space<vmem>>, %arg17: memref<16xf32, #tpu.memory_space<vmem>>, %arg18: memref<10240x128xf32, #tpu.memory_space<vmem_shared>>, %arg19: memref<10240x16xf32, #tpu.memory_space<vmem_shared>>) attributes {dimension_semantics = [#tpu.dimension_semantics<core_parallel>, #tpu.dimension_semantics<subcore_parallel>], iteration_bounds = array<i64: 2, 16>, scalar_prefetch = 0 : i64, scratch_operands = 9 : i64, tpu.core_type = #tpu.core_type<sc_vector_subcore>, window_params = [{transform_indices = #map}, {transform_indices = #map}, {transform_indices = #map}, {transform_indices = #map}, {transform_indices = #map1}, {transform_indices = #map}, {transform_indices = #map}, {transform_indices = #map2}, {transform_indices = #map2}]} {
    %mul3A = arith.constant 2 : i32
    %mul3A_0 = arith.muli %arg1, %mul3A : i32
    %add3A = arith.addi %mul3A_0, %arg0 : i32
    %mul3A_1 = arith.constant 640 : i32
    %mul3A_2 = arith.muli %arg1, %mul3A_1 : i32
    "tpu.region"() ({
      %run_scoped3A = tpu.sem_alloc : memref<!tpu.dma_semaphore, #tpu.memory_space<semaphore_mem>>
      %dma_start3A = arith.constant 0 : i32
      %dma_start3A_18 = tpu.memref_slice %arg18[%mul3A_2, %dma_start3A] : memref<10240x128xf32, #tpu.memory_space<vmem_shared>> -> memref<640x128xf32, #tpu.memory_space<vmem_shared>>
      %dma_start3A_19 = arith.constant 0 : i32
      %dma_start3A_20 = tpu.memref_slice %arg7[%mul3A_2, %dma_start3A_19] : memref<10240x128xf32, #tpu.memory_space<hbm>> -> memref<640x128xf32, #tpu.memory_space<hbm>>
      tpu.enqueue_dma source(%dma_start3A_20 : memref<640x128xf32, #tpu.memory_space<hbm>>) target(%dma_start3A_18 : memref<640x128xf32, #tpu.memory_space<vmem_shared>>) target_semaphore(%run_scoped3A : memref<!tpu.dma_semaphore, #tpu.memory_space<semaphore_mem>>)
      %dma_wait3A = arith.constant 0 : i32
      %dma_wait3A_21 = tpu.memref_slice %arg18[%mul3A_2, %dma_wait3A] : memref<10240x128xf32, #tpu.memory_space<vmem_shared>> -> memref<640x128xf32, #tpu.memory_space<vmem_shared>>
      %dma_wait3A_22 = arith.constant 0 : i32
      %dma_wait3A_23 = tpu.memref_slice %arg7[%mul3A_2, %dma_wait3A_22] : memref<10240x128xf32, #tpu.memory_space<hbm>> -> memref<640x128xf32, #tpu.memory_space<hbm>>
      tpu.wait_dma2 semaphore(%run_scoped3A : memref<!tpu.dma_semaphore, #tpu.memory_space<semaphore_mem>>) src(%dma_wait3A_23 : memref<640x128xf32, #tpu.memory_space<hbm>>) dst(%dma_wait3A_21 : memref<640x128xf32, #tpu.memory_space<vmem_shared>>)
      tpu.yield
    }) : () -> ()
    "tpu.region"() ({
      %run_scoped3A = tpu.sem_alloc : memref<!tpu.dma_semaphore, #tpu.memory_space<semaphore_mem>>
      %dma_start3A = arith.constant 0 : i32
      %dma_start3A_18 = tpu.memref_slice %arg19[%mul3A_2, %dma_start3A] : memref<10240x16xf32, #tpu.memory_space<vmem_shared>> -> memref<640x16xf32, #tpu.memory_space<vmem_shared>>
      %dma_start3A_19 = arith.constant 0 : i32
      %dma_start3A_20 = tpu.memref_slice %arg8[%mul3A_2, %dma_start3A_19] : memref<10240x16xf32, #tpu.memory_space<hbm>> -> memref<640x16xf32, #tpu.memory_space<hbm>>
      tpu.enqueue_dma source(%dma_start3A_20 : memref<640x16xf32, #tpu.memory_space<hbm>>) target(%dma_start3A_18 : memref<640x16xf32, #tpu.memory_space<vmem_shared>>) target_semaphore(%run_scoped3A : memref<!tpu.dma_semaphore, #tpu.memory_space<semaphore_mem>>)
      %dma_wait3A = arith.constant 0 : i32
      %dma_wait3A_21 = tpu.memref_slice %arg19[%mul3A_2, %dma_wait3A] : memref<10240x16xf32, #tpu.memory_space<vmem_shared>> -> memref<640x16xf32, #tpu.memory_space<vmem_shared>>
      %dma_wait3A_22 = arith.constant 0 : i32
      %dma_wait3A_23 = tpu.memref_slice %arg8[%mul3A_2, %dma_wait3A_22] : memref<10240x16xf32, #tpu.memory_space<hbm>> -> memref<640x16xf32, #tpu.memory_space<hbm>>
      tpu.wait_dma2 semaphore(%run_scoped3A : memref<!tpu.dma_semaphore, #tpu.memory_space<semaphore_mem>>) src(%dma_wait3A_23 : memref<640x16xf32, #tpu.memory_space<hbm>>) dst(%dma_wait3A_21 : memref<640x16xf32, #tpu.memory_space<vmem_shared>>)
      tpu.yield
    }) : () -> ()
    "tpu.region"() ({
      %run_scoped3A = tpu.sem_alloc : memref<!tpu.dma_semaphore, #tpu.memory_space<semaphore_mem>>
      tpu.enqueue_dma source(%arg6 : memref<16xf32, #tpu.memory_space<hbm>>) target(%arg17 : memref<16xf32, #tpu.memory_space<vmem>>) target_semaphore(%run_scoped3A : memref<!tpu.dma_semaphore, #tpu.memory_space<semaphore_mem>>)
      tpu.wait_dma2 semaphore(%run_scoped3A : memref<!tpu.dma_semaphore, #tpu.memory_space<semaphore_mem>>) src(%arg6 : memref<16xf32, #tpu.memory_space<hbm>>) dst(%arg17 : memref<16xf32, #tpu.memory_space<vmem>>)
      tpu.yield
    }) : () -> ()
    %barrier3A = arith.constant 0 : index
    tpu.barrier barrier_id(%barrier3A)
    %get3A = arith.constant 0 : index
    %get3A_3 = tpu.vector_load %arg17[%get3A] {strides = array<i32>} : memref<16xf32, #tpu.memory_space<vmem>>, vector<16xf32>,
    %get3A_4 = vector.shape_cast %get3A_3 : vector<16xf32> to vector<16xf32>
    %iota3A = tpu.iota {dimensions = array<i32: 0>} : vector<16xi32>
    %and3A = arith.constant 7 : i32
    %and3A_5 = vector.broadcast %and3A : i32 to vector<16xi32>
    %and3A_6 = arith.andi %iota3A, %and3A_5 : vector<16xi32>
    %add3A_7 = arith.constant 8 : i32
    %add3A_8 = vector.broadcast %add3A_7 : i32 to vector<16xi32>
    %add3A_9 = arith.addi %and3A_6, %add3A_8 : vector<16xi32>
    %mul3A_10 = arith.constant 80 : i32
    %mul3A_11 = arith.muli %add3A, %mul3A_10 : i32
    %scan3A = arith.constant 0 : i32
    %scan3A_12 = arith.constant 0 : i32
    %scan3A_13 = arith.constant 80 : i32
    %scan3A_14 = arith.addi %scan3A_12, %scan3A_13 : i32
    %scan3A_15 = arith.constant 1 : i32
    scf.for %scan3A_18 = %scan3A_12 to %scan3A_14 step %scan3A_15  : i32 {
      %add3A_19 = arith.addi %mul3A_11, %scan3A_18 : i32
      %run_scoped3A = arith.constant 0 : i32
      "tpu.region"() ({
        %run_scoped3A_33 = tpu.sem_alloc : memref<!tpu.dma_semaphore, #tpu.memory_space<semaphore_mem>>
        %dma_start3A = arith.constant 0 : i32
        %dma_start3A_34 = tpu.memref_slice %arg11[%run_scoped3A, %dma_start3A] : memref<1x128xi32, #tpu.memory_space<vmem>> -> memref<1x128xi32, #tpu.memory_space<vmem>>
        %dma_start3A_35 = tpu.memref_squeeze %dma_start3A_34 : memref<1x128xi32, #tpu.memory_space<vmem>> -> memref<128xi32, #tpu.memory_space<vmem>>
        %dma_start3A_36 = arith.constant 0 : i32
        %dma_start3A_37 = tpu.memref_slice %arg2[%add3A_19, %dma_start3A_36] : memref<2560x128xi32, #tpu.memory_space<hbm>> -> memref<1x128xi32, #tpu.memory_space<hbm>>
        %dma_start3A_38 = tpu.memref_squeeze %dma_start3A_37 : memref<1x128xi32, #tpu.memory_space<hbm>> -> memref<128xi32, #tpu.memory_space<hbm>>
        %dma_start3A_39 = arith.constant 0 : i32
        %dma_start3A_40 = tpu.memref_slice %arg11[%run_scoped3A, %dma_start3A_39] : memref<1x128xi32, #tpu.memory_space<vmem>> -> memref<1x128xi32, #tpu.memory_space<vmem>>
        %dma_start3A_41 = tpu.memref_squeeze %dma_start3A_40 : memref<1x128xi32, #tpu.memory_space<vmem>> -> memref<128xi32, #tpu.memory_space<vmem>>
        %dma_start3A_42 = arith.constant 0 : i32
        %dma_start3A_43 = tpu.memref_slice %arg2[%add3A_19, %dma_start3A_42] : memref<2560x128xi32, #tpu.memory_space<hbm>> -> memref<1x128xi32, #tpu.memory_space<hbm>>
        %dma_start3A_44 = tpu.memref_squeeze %dma_start3A_43 : memref<1x128xi32, #tpu.memory_space<hbm>> -> memref<128xi32, #tpu.memory_space<hbm>>
        tpu.enqueue_dma source(%dma_start3A_44 : memref<128xi32, #tpu.memory_space<hbm>>) target(%dma_start3A_41 : memref<128xi32, #tpu.memory_space<vmem>>) target_semaphore(%run_scoped3A_33 : memref<!tpu.dma_semaphore, #tpu.memory_space<semaphore_mem>>)
        %dma_wait3A = arith.constant 0 : i32
        %dma_wait3A_45 = tpu.memref_slice %arg11[%run_scoped3A, %dma_wait3A] : memref<1x128xi32, #tpu.memory_space<vmem>> -> memref<1x128xi32, #tpu.memory_space<vmem>>
        %dma_wait3A_46 = tpu.memref_squeeze %dma_wait3A_45 : memref<1x128xi32, #tpu.memory_space<vmem>> -> memref<128xi32, #tpu.memory_space<vmem>>
        %dma_wait3A_47 = arith.constant 0 : i32
        %dma_wait3A_48 = tpu.memref_slice %arg2[%add3A_19, %dma_wait3A_47] : memref<2560x128xi32, #tpu.memory_space<hbm>> -> memref<1x128xi32, #tpu.memory_space<hbm>>
        %dma_wait3A_49 = tpu.memref_squeeze %dma_wait3A_48 : memref<1x128xi32, #tpu.memory_space<hbm>> -> memref<128xi32, #tpu.memory_space<hbm>>
        %dma_wait3A_50 = arith.constant 0 : i32
        %dma_wait3A_51 = tpu.memref_slice %arg11[%run_scoped3A, %dma_wait3A_50] : memref<1x128xi32, #tpu.memory_space<vmem>> -> memref<1x128xi32, #tpu.memory_space<vmem>>
        %dma_wait3A_52 = tpu.memref_squeeze %dma_wait3A_51 : memref<1x128xi32, #tpu.memory_space<vmem>> -> memref<128xi32, #tpu.memory_space<vmem>>
        %dma_wait3A_53 = arith.constant 0 : i32
        %dma_wait3A_54 = tpu.memref_slice %arg2[%add3A_19, %dma_wait3A_53] : memref<2560x128xi32, #tpu.memory_space<hbm>> -> memref<1x128xi32, #tpu.memory_space<hbm>>
        %dma_wait3A_55 = tpu.memref_squeeze %dma_wait3A_54 : memref<1x128xi32, #tpu.memory_space<hbm>> -> memref<128xi32, #tpu.memory_space<hbm>>
        tpu.wait_dma2 semaphore(%run_scoped3A_33 : memref<!tpu.dma_semaphore, #tpu.memory_space<semaphore_mem>>) src(%dma_wait3A_55 : memref<128xi32, #tpu.memory_space<hbm>>) dst(%dma_wait3A_52 : memref<128xi32, #tpu.memory_space<vmem>>)
        tpu.yield
      }) : () -> ()
      %add3A_20 = arith.addi %mul3A_11, %scan3A_18 : i32
      %run_scoped3A_21 = arith.constant 0 : i32
      "tpu.region"() ({
        %run_scoped3A_33 = tpu.sem_alloc : memref<!tpu.dma_semaphore, #tpu.memory_space<semaphore_mem>>
        %dma_start3A = arith.constant 0 : i32
        %dma_start3A_34 = tpu.memref_slice %arg12[%run_scoped3A_21, %dma_start3A] : memref<1x128xi32, #tpu.memory_space<vmem>> -> memref<1x128xi32, #tpu.memory_space<vmem>>
        %dma_start3A_35 = tpu.memref_squeeze %dma_start3A_34 : memref<1x128xi32, #tpu.memory_space<vmem>> -> memref<128xi32, #tpu.memory_space<vmem>>
        %dma_start3A_36 = arith.constant 0 : i32
        %dma_start3A_37 = tpu.memref_slice %arg3[%add3A_20, %dma_start3A_36] : memref<2560x128xi32, #tpu.memory_space<hbm>> -> memref<1x128xi32, #tpu.memory_space<hbm>>
        %dma_start3A_38 = tpu.memref_squeeze %dma_start3A_37 : memref<1x128xi32, #tpu.memory_space<hbm>> -> memref<128xi32, #tpu.memory_space<hbm>>
        %dma_start3A_39 = arith.constant 0 : i32
        %dma_start3A_40 = tpu.memref_slice %arg12[%run_scoped3A_21, %dma_start3A_39] : memref<1x128xi32, #tpu.memory_space<vmem>> -> memref<1x128xi32, #tpu.memory_space<vmem>>
        %dma_start3A_41 = tpu.memref_squeeze %dma_start3A_40 : memref<1x128xi32, #tpu.memory_space<vmem>> -> memref<128xi32, #tpu.memory_space<vmem>>
        %dma_start3A_42 = arith.constant 0 : i32
        %dma_start3A_43 = tpu.memref_slice %arg3[%add3A_20, %dma_start3A_42] : memref<2560x128xi32, #tpu.memory_space<hbm>> -> memref<1x128xi32, #tpu.memory_space<hbm>>
        %dma_start3A_44 = tpu.memref_squeeze %dma_start3A_43 : memref<1x128xi32, #tpu.memory_space<hbm>> -> memref<128xi32, #tpu.memory_space<hbm>>
        tpu.enqueue_dma source(%dma_start3A_44 : memref<128xi32, #tpu.memory_space<hbm>>) target(%dma_start3A_41 : memref<128xi32, #tpu.memory_space<vmem>>) target_semaphore(%run_scoped3A_33 : memref<!tpu.dma_semaphore, #tpu.memory_space<semaphore_mem>>)
        %dma_wait3A = arith.constant 0 : i32
        %dma_wait3A_45 = tpu.memref_slice %arg12[%run_scoped3A_21, %dma_wait3A] : memref<1x128xi32, #tpu.memory_space<vmem>> -> memref<1x128xi32, #tpu.memory_space<vmem>>
        %dma_wait3A_46 = tpu.memref_squeeze %dma_wait3A_45 : memref<1x128xi32, #tpu.memory_space<vmem>> -> memref<128xi32, #tpu.memory_space<vmem>>
        %dma_wait3A_47 = arith.constant 0 : i32
        %dma_wait3A_48 = tpu.memref_slice %arg3[%add3A_20, %dma_wait3A_47] : memref<2560x128xi32, #tpu.memory_space<hbm>> -> memref<1x128xi32, #tpu.memory_space<hbm>>
        %dma_wait3A_49 = tpu.memref_squeeze %dma_wait3A_48 : memref<1x128xi32, #tpu.memory_space<hbm>> -> memref<128xi32, #tpu.memory_space<hbm>>
        %dma_wait3A_50 = arith.constant 0 : i32
        %dma_wait3A_51 = tpu.memref_slice %arg12[%run_scoped3A_21, %dma_wait3A_50] : memref<1x128xi32, #tpu.memory_space<vmem>> -> memref<1x128xi32, #tpu.memory_space<vmem>>
        %dma_wait3A_52 = tpu.memref_squeeze %dma_wait3A_51 : memref<1x128xi32, #tpu.memory_space<vmem>> -> memref<128xi32, #tpu.memory_space<vmem>>
        %dma_wait3A_53 = arith.constant 0 : i32
        %dma_wait3A_54 = tpu.memref_slice %arg3[%add3A_20, %dma_wait3A_53] : memref<2560x128xi32, #tpu.memory_space<hbm>> -> memref<1x128xi32, #tpu.memory_space<hbm>>
        %dma_wait3A_55 = tpu.memref_squeeze %dma_wait3A_54 : memref<1x128xi32, #tpu.memory_space<hbm>> -> memref<128xi32, #tpu.memory_space<hbm>>
        tpu.wait_dma2 semaphore(%run_scoped3A_33 : memref<!tpu.dma_semaphore, #tpu.memory_space<semaphore_mem>>) src(%dma_wait3A_55 : memref<128xi32, #tpu.memory_space<hbm>>) dst(%dma_wait3A_52 : memref<128xi32, #tpu.memory_space<vmem>>)
        tpu.yield
      }) : () -> ()
      %run_scoped3A_22 = arith.constant 0 : i32
      "tpu.region"() ({
        %run_scoped3A_33 = tpu.sem_alloc : memref<!tpu.dma_semaphore, #tpu.memory_space<semaphore_mem>>
        %dma_start3A = arith.constant 0 : i32
        %dma_start3A_34 = tpu.memref_slice %arg11[%run_scoped3A_22, %dma_start3A] : memref<1x128xi32, #tpu.memory_space<vmem>> -> memref<1x128xi32, #tpu.memory_space<vmem>>
        %dma_start3A_35 = tpu.memref_squeeze %dma_start3A_34 : memref<1x128xi32, #tpu.memory_space<vmem>> -> memref<128xi32, #tpu.memory_space<vmem>>
        %dma_start3A_36 = arith.constant 0 : i32
        %dma_start3A_37 = arith.constant 0 : i32
        %dma_start3A_38 = tpu.memref_slice %arg4[%dma_start3A_36, %dma_start3A_37] : memref<10240x16xf32, #tpu.memory_space<hbm>> -> memref<10240x16xf32, #tpu.memory_space<hbm>>
        tpu.enqueue_indirect_dma source(%dma_start3A_38 : memref<10240x16xf32, #tpu.memory_space<hbm>>) target(%arg13 : memref<128x16xf32, #tpu.memory_space<vmem>>) offsets(%dma_start3A_35 : memref<128xi32, #tpu.memory_space<vmem>>) semaphore(%run_scoped3A_33 : memref<!tpu.dma_semaphore, #tpu.memory_space<semaphore_mem>>)
        %dma_wait3A = arith.constant 0 : i32
        %dma_wait3A_39 = tpu.memref_slice %arg11[%run_scoped3A_22, %dma_wait3A] : memref<1x128xi32, #tpu.memory_space<vmem>> -> memref<1x128xi32, #tpu.memory_space<vmem>>
        %dma_wait3A_40 = tpu.memref_squeeze %dma_wait3A_39 : memref<1x128xi32, #tpu.memory_space<vmem>> -> memref<128xi32, #tpu.memory_space<vmem>>
        %dma_wait3A_41 = arith.constant 0 : i32
        %dma_wait3A_42 = arith.constant 0 : i32
        %dma_wait3A_43 = tpu.memref_slice %arg4[%dma_wait3A_41, %dma_wait3A_42] : memref<10240x16xf32, #tpu.memory_space<hbm>> -> memref<10240x16xf32, #tpu.memory_space<hbm>>
        tpu.wait_indirect_dma semaphore(%run_scoped3A_33 : memref<!tpu.dma_semaphore, #tpu.memory_space<semaphore_mem>>) src(%dma_wait3A_43 : memref<10240x16xf32, #tpu.memory_space<hbm>>) dst(%arg13 : memref<128x16xf32, #tpu.memory_space<vmem>>)
        tpu.yield
      }) : () -> ()
      %run_scoped3A_23 = arith.constant 0 : i32
      "tpu.region"() ({
        %run_scoped3A_33 = tpu.sem_alloc : memref<!tpu.dma_semaphore, #tpu.memory_space<semaphore_mem>>
        %dma_start3A = arith.constant 0 : i32
        %dma_start3A_34 = tpu.memref_slice %arg12[%run_scoped3A_23, %dma_start3A] : memref<1x128xi32, #tpu.memory_space<vmem>> -> memref<1x128xi32, #tpu.memory_space<vmem>>
        %dma_start3A_35 = tpu.memref_squeeze %dma_start3A_34 : memref<1x128xi32, #tpu.memory_space<vmem>> -> memref<128xi32, #tpu.memory_space<vmem>>
        %dma_start3A_36 = arith.constant 0 : i32
        %dma_start3A_37 = arith.constant 0 : i32
        %dma_start3A_38 = tpu.memref_slice %arg4[%dma_start3A_36, %dma_start3A_37] : memref<10240x16xf32, #tpu.memory_space<hbm>> -> memref<10240x16xf32, #tpu.memory_space<hbm>>
        tpu.enqueue_indirect_dma source(%dma_start3A_38 : memref<10240x16xf32, #tpu.memory_space<hbm>>) target(%arg14 : memref<128x16xf32, #tpu.memory_space<vmem>>) offsets(%dma_start3A_35 : memref<128xi32, #tpu.memory_space<vmem>>) semaphore(%run_scoped3A_33 : memref<!tpu.dma_semaphore, #tpu.memory_space<semaphore_mem>>)
        %dma_wait3A = arith.constant 0 : i32
        %dma_wait3A_39 = tpu.memref_slice %arg12[%run_scoped3A_23, %dma_wait3A] : memref<1x128xi32, #tpu.memory_space<vmem>> -> memref<1x128xi32, #tpu.memory_space<vmem>>
        %dma_wait3A_40 = tpu.memref_squeeze %dma_wait3A_39 : memref<1x128xi32, #tpu.memory_space<vmem>> -> memref<128xi32, #tpu.memory_space<vmem>>
        %dma_wait3A_41 = arith.constant 0 : i32
        %dma_wait3A_42 = arith.constant 0 : i32
        %dma_wait3A_43 = tpu.memref_slice %arg4[%dma_wait3A_41, %dma_wait3A_42] : memref<10240x16xf32, #tpu.memory_space<hbm>> -> memref<10240x16xf32, #tpu.memory_space<hbm>>
        tpu.wait_indirect_dma semaphore(%run_scoped3A_33 : memref<!tpu.dma_semaphore, #tpu.memory_space<semaphore_mem>>) src(%dma_wait3A_43 : memref<10240x16xf32, #tpu.memory_space<hbm>>) dst(%arg14 : memref<128x16xf32, #tpu.memory_space<vmem>>)
        tpu.yield
      }) : () -> ()
      %run_scoped3A_24 = arith.constant 0 : i32
      "tpu.region"() ({
        %run_scoped3A_33 = tpu.sem_alloc : memref<!tpu.dma_semaphore, #tpu.memory_space<semaphore_mem>>
        %dma_start3A = arith.constant 0 : i32
        %dma_start3A_34 = tpu.memref_slice %arg11[%run_scoped3A_24, %dma_start3A] : memref<1x128xi32, #tpu.memory_space<vmem>> -> memref<1x128xi32, #tpu.memory_space<vmem>>
        %dma_start3A_35 = tpu.memref_squeeze %dma_start3A_34 : memref<1x128xi32, #tpu.memory_space<vmem>> -> memref<128xi32, #tpu.memory_space<vmem>>
        %dma_start3A_36 = arith.constant 0 : i32
        %dma_start3A_37 = arith.constant 0 : i32
        %dma_start3A_38 = tpu.memref_slice %arg5[%dma_start3A_36, %dma_start3A_37] : memref<10240x128xf32, #tpu.memory_space<hbm>> -> memref<10240x128xf32, #tpu.memory_space<hbm>>
        tpu.enqueue_indirect_dma source(%dma_start3A_38 : memref<10240x128xf32, #tpu.memory_space<hbm>>) target(%arg16 : memref<128x128xf32, #tpu.memory_space<vmem>>) offsets(%dma_start3A_35 : memref<128xi32, #tpu.memory_space<vmem>>) semaphore(%run_scoped3A_33 : memref<!tpu.dma_semaphore, #tpu.memory_space<semaphore_mem>>)
        %dma_wait3A = arith.constant 0 : i32
        %dma_wait3A_39 = tpu.memref_slice %arg11[%run_scoped3A_24, %dma_wait3A] : memref<1x128xi32, #tpu.memory_space<vmem>> -> memref<1x128xi32, #tpu.memory_space<vmem>>
        %dma_wait3A_40 = tpu.memref_squeeze %dma_wait3A_39 : memref<1x128xi32, #tpu.memory_space<vmem>> -> memref<128xi32, #tpu.memory_space<vmem>>
        %dma_wait3A_41 = arith.constant 0 : i32
        %dma_wait3A_42 = arith.constant 0 : i32
        %dma_wait3A_43 = tpu.memref_slice %arg5[%dma_wait3A_41, %dma_wait3A_42] : memref<10240x128xf32, #tpu.memory_space<hbm>> -> memref<10240x128xf32, #tpu.memory_space<hbm>>
        tpu.wait_indirect_dma semaphore(%run_scoped3A_33 : memref<!tpu.dma_semaphore, #tpu.memory_space<semaphore_mem>>) src(%dma_wait3A_43 : memref<10240x128xf32, #tpu.memory_space<hbm>>) dst(%arg16 : memref<128x128xf32, #tpu.memory_space<vmem>>)
        tpu.yield
      }) : () -> ()
      %scan3A_25 = arith.constant 0 : i32
      %scan3A_26 = arith.constant 0 : i32
      %scan3A_27 = arith.constant 128 : i32
      %scan3A_28 = arith.addi %scan3A_26, %scan3A_27 : i32
      %scan3A_29 = arith.constant 1 : i32
      scf.for %scan3A_33 = %scan3A_26 to %scan3A_28 step %scan3A_29  : i32 {
        %get3A_34 = arith.index_cast %scan3A_33 : i32 to index
        %get3A_35 = arith.constant 0 : index
        %get3A_36 = tpu.vector_load %arg13[%get3A_34, %get3A_35] {strides = array<i32>} : memref<128x16xf32, #tpu.memory_space<vmem>>, vector<1x16xf32>,
        %get3A_37 = vector.shape_cast %get3A_36 : vector<1x16xf32> to vector<16xf32>
        %get3A_38 = arith.index_cast %scan3A_33 : i32 to index
        %get3A_39 = arith.constant 0 : index
        %get3A_40 = tpu.vector_load %arg14[%get3A_38, %get3A_39] {strides = array<i32>} : memref<128x16xf32, #tpu.memory_space<vmem>>, vector<1x16xf32>,
        %get3A_41 = vector.shape_cast %get3A_40 : vector<1x16xf32> to vector<16xf32>
        %broadcast_in_dim3A = vector.shape_cast %add3A_9 : vector<16xi32> to vector<16x1xi32>
        %gather3A = vector.shape_cast %broadcast_in_dim3A : vector<16x1xi32> to vector<16xi32>
        %gather3A_42 = tpu.dynamic_gather %get3A_41[%gather3A] in [0] : vector<16xf32>, vector<16xi32> -> vector<16xf32>
        %add3A_43 = arith.addf %get3A_37, %gather3A_42 : vector<16xf32>
        %mul3A_44 = arith.constant 2.000000e-01 : f32
        %mul3A_45 = vector.broadcast %mul3A_44 : f32 to vector<16xf32>
        %mul3A_46 = arith.mulf %mul3A_45, %add3A_43 : vector<16xf32>
        %max3A = arith.maximumf %add3A_43, %mul3A_46 : vector<16xf32>
        %sub3A = arith.subf %max3A, %get3A_4 : vector<16xf32>
        %exp3A = math.exp %sub3A : vector<16xf32>
        %swap3A = arith.index_cast %scan3A_33 : i32 to index
        %swap3A_47 = arith.constant 0 : index
        %swap3A_48 = tpu.vector_load %arg15[%swap3A, %swap3A_47] {strides = array<i32>} : memref<128x16xf32, #tpu.memory_space<vmem>>, vector<1x16xf32>,
        %swap3A_49 = vector.shape_cast %swap3A_48 : vector<1x16xf32> to vector<16xf32>
        %swap3A_50 = vector.shape_cast %exp3A : vector<16xf32> to vector<1x16xf32>
        tpu.vector_store %arg15[%swap3A, %swap3A_47], %swap3A_50 {strides = array<i32>} : memref<128x16xf32, #tpu.memory_space<vmem>>, vector<1x16xf32>,
        %get3A_51 = arith.index_cast %scan3A_33 : i32 to index
        %get3A_52 = arith.constant 0 : index
        %get3A_53 = tpu.vector_load %arg16[%get3A_51, %get3A_52] {strides = array<i32>} : memref<128x128xf32, #tpu.memory_space<vmem>>, vector<1x16xf32>,
        %get3A_54 = vector.shape_cast %get3A_53 : vector<1x16xf32> to vector<16xf32>
        %broadcast_in_dim3A_55 = arith.constant 0 : i32
        %broadcast_in_dim3A_56 = vector.broadcast %broadcast_in_dim3A_55 : i32 to vector<16xi32>
        %broadcast_in_dim3A_57 = vector.shape_cast %broadcast_in_dim3A_56 : vector<16xi32> to vector<16x1xi32>
        %gather3A_58 = vector.shape_cast %broadcast_in_dim3A_57 : vector<16x1xi32> to vector<16xi32>
        %gather3A_59 = tpu.dynamic_gather %exp3A[%gather3A_58] in [0] : vector<16xf32>, vector<16xi32> -> vector<16xf32>
        %mul3A_60 = arith.mulf %get3A_54, %gather3A_59 : vector<16xf32>
        %swap3A_61 = arith.index_cast %scan3A_33 : i32 to index
        %swap3A_62 = arith.constant 0 : index
        %swap3A_63 = tpu.vector_load %arg16[%swap3A_61, %swap3A_62] {strides = array<i32>} : memref<128x128xf32, #tpu.memory_space<vmem>>, vector<1x16xf32>,
        %swap3A_64 = vector.shape_cast %swap3A_63 : vector<1x16xf32> to vector<16xf32>
        %swap3A_65 = vector.shape_cast %mul3A_60 : vector<16xf32> to vector<1x16xf32>
        tpu.vector_store %arg16[%swap3A_61, %swap3A_62], %swap3A_65 {strides = array<i32>} : memref<128x128xf32, #tpu.memory_space<vmem>>, vector<1x16xf32>,
        %get3A_66 = arith.index_cast %scan3A_33 : i32 to index
        %get3A_67 = arith.constant 16 : index
        %get3A_68 = tpu.vector_load %arg16[%get3A_66, %get3A_67] {strides = array<i32>} : memref<128x128xf32, #tpu.memory_space<vmem>>, vector<1x16xf32>,
        %get3A_69 = vector.shape_cast %get3A_68 : vector<1x16xf32> to vector<16xf32>
        %broadcast_in_dim3A_70 = arith.constant 1 : i32
        %broadcast_in_dim3A_71 = vector.broadcast %broadcast_in_dim3A_70 : i32 to vector<16xi32>
        %broadcast_in_dim3A_72 = vector.shape_cast %broadcast_in_dim3A_71 : vector<16xi32> to vector<16x1xi32>
        %gather3A_73 = vector.shape_cast %broadcast_in_dim3A_72 : vector<16x1xi32> to vector<16xi32>
        %gather3A_74 = tpu.dynamic_gather %exp3A[%gather3A_73] in [0] : vector<16xf32>, vector<16xi32> -> vector<16xf32>
        %mul3A_75 = arith.mulf %get3A_69, %gather3A_74 : vector<16xf32>
        %swap3A_76 = arith.index_cast %scan3A_33 : i32 to index
        %swap3A_77 = arith.constant 16 : index
        %swap3A_78 = tpu.vector_load %arg16[%swap3A_76, %swap3A_77] {strides = array<i32>} : memref<128x128xf32, #tpu.memory_space<vmem>>, vector<1x16xf32>,
        %swap3A_79 = vector.shape_cast %swap3A_78 : vector<1x16xf32> to vector<16xf32>
        %swap3A_80 = vector.shape_cast %mul3A_75 : vector<16xf32> to vector<1x16xf32>
        tpu.vector_store %arg16[%swap3A_76, %swap3A_77], %swap3A_80 {strides = array<i32>} : memref<128x128xf32, #tpu.memory_space<vmem>>, vector<1x16xf32>,
        %get3A_81 = arith.index_cast %scan3A_33 : i32 to index
        %get3A_82 = arith.constant 32 : index
        %get3A_83 = tpu.vector_load %arg16[%get3A_81, %get3A_82] {strides = array<i32>} : memref<128x128xf32, #tpu.memory_space<vmem>>, vector<1x16xf32>,
        %get3A_84 = vector.shape_cast %get3A_83 : vector<1x16xf32> to vector<16xf32>
        %broadcast_in_dim3A_85 = arith.constant 2 : i32
        %broadcast_in_dim3A_86 = vector.broadcast %broadcast_in_dim3A_85 : i32 to vector<16xi32>
        %broadcast_in_dim3A_87 = vector.shape_cast %broadcast_in_dim3A_86 : vector<16xi32> to vector<16x1xi32>
        %gather3A_88 = vector.shape_cast %broadcast_in_dim3A_87 : vector<16x1xi32> to vector<16xi32>
        %gather3A_89 = tpu.dynamic_gather %exp3A[%gather3A_88] in [0] : vector<16xf32>, vector<16xi32> -> vector<16xf32>
        %mul3A_90 = arith.mulf %get3A_84, %gather3A_89 : vector<16xf32>
        %swap3A_91 = arith.index_cast %scan3A_33 : i32 to index
        %swap3A_92 = arith.constant 32 : index
        %swap3A_93 = tpu.vector_load %arg16[%swap3A_91, %swap3A_92] {strides = array<i32>} : memref<128x128xf32, #tpu.memory_space<vmem>>, vector<1x16xf32>,
        %swap3A_94 = vector.shape_cast %swap3A_93 : vector<1x16xf32> to vector<16xf32>
        %swap3A_95 = vector.shape_cast %mul3A_90 : vector<16xf32> to vector<1x16xf32>
        tpu.vector_store %arg16[%swap3A_91, %swap3A_92], %swap3A_95 {strides = array<i32>} : memref<128x128xf32, #tpu.memory_space<vmem>>, vector<1x16xf32>,
        %get3A_96 = arith.index_cast %scan3A_33 : i32 to index
        %get3A_97 = arith.constant 48 : index
        %get3A_98 = tpu.vector_load %arg16[%get3A_96, %get3A_97] {strides = array<i32>} : memref<128x128xf32, #tpu.memory_space<vmem>>, vector<1x16xf32>,
        %get3A_99 = vector.shape_cast %get3A_98 : vector<1x16xf32> to vector<16xf32>
        %broadcast_in_dim3A_100 = arith.constant 3 : i32
        %broadcast_in_dim3A_101 = vector.broadcast %broadcast_in_dim3A_100 : i32 to vector<16xi32>
        %broadcast_in_dim3A_102 = vector.shape_cast %broadcast_in_dim3A_101 : vector<16xi32> to vector<16x1xi32>
        %gather3A_103 = vector.shape_cast %broadcast_in_dim3A_102 : vector<16x1xi32> to vector<16xi32>
        %gather3A_104 = tpu.dynamic_gather %exp3A[%gather3A_103] in [0] : vector<16xf32>, vector<16xi32> -> vector<16xf32>
        %mul3A_105 = arith.mulf %get3A_99, %gather3A_104 : vector<16xf32>
        %swap3A_106 = arith.index_cast %scan3A_33 : i32 to index
        %swap3A_107 = arith.constant 48 : index
        %swap3A_108 = tpu.vector_load %arg16[%swap3A_106, %swap3A_107] {strides = array<i32>} : memref<128x128xf32, #tpu.memory_space<vmem>>, vector<1x16xf32>,
        %swap3A_109 = vector.shape_cast %swap3A_108 : vector<1x16xf32> to vector<16xf32>
        %swap3A_110 = vector.shape_cast %mul3A_105 : vector<16xf32> to vector<1x16xf32>
        tpu.vector_store %arg16[%swap3A_106, %swap3A_107], %swap3A_110 {strides = array<i32>} : memref<128x128xf32, #tpu.memory_space<vmem>>, vector<1x16xf32>,
        %get3A_111 = arith.index_cast %scan3A_33 : i32 to index
        %get3A_112 = arith.constant 64 : index
        %get3A_113 = tpu.vector_load %arg16[%get3A_111, %get3A_112] {strides = array<i32>} : memref<128x128xf32, #tpu.memory_space<vmem>>, vector<1x16xf32>,
        %get3A_114 = vector.shape_cast %get3A_113 : vector<1x16xf32> to vector<16xf32>
        %broadcast_in_dim3A_115 = arith.constant 4 : i32
        %broadcast_in_dim3A_116 = vector.broadcast %broadcast_in_dim3A_115 : i32 to vector<16xi32>
        %broadcast_in_dim3A_117 = vector.shape_cast %broadcast_in_dim3A_116 : vector<16xi32> to vector<16x1xi32>
        %gather3A_118 = vector.shape_cast %broadcast_in_dim3A_117 : vector<16x1xi32> to vector<16xi32>
        %gather3A_119 = tpu.dynamic_gather %exp3A[%gather3A_118] in [0] : vector<16xf32>, vector<16xi32> -> vector<16xf32>
        %mul3A_120 = arith.mulf %get3A_114, %gather3A_119 : vector<16xf32>
        %swap3A_121 = arith.index_cast %scan3A_33 : i32 to index
        %swap3A_122 = arith.constant 64 : index
        %swap3A_123 = tpu.vector_load %arg16[%swap3A_121, %swap3A_122] {strides = array<i32>} : memref<128x128xf32, #tpu.memory_space<vmem>>, vector<1x16xf32>,
        %swap3A_124 = vector.shape_cast %swap3A_123 : vector<1x16xf32> to vector<16xf32>
        %swap3A_125 = vector.shape_cast %mul3A_120 : vector<16xf32> to vector<1x16xf32>
        tpu.vector_store %arg16[%swap3A_121, %swap3A_122], %swap3A_125 {strides = array<i32>} : memref<128x128xf32, #tpu.memory_space<vmem>>, vector<1x16xf32>,
        %get3A_126 = arith.index_cast %scan3A_33 : i32 to index
        %get3A_127 = arith.constant 80 : index
        %get3A_128 = tpu.vector_load %arg16[%get3A_126, %get3A_127] {strides = array<i32>} : memref<128x128xf32, #tpu.memory_space<vmem>>, vector<1x16xf32>,
        %get3A_129 = vector.shape_cast %get3A_128 : vector<1x16xf32> to vector<16xf32>
        %broadcast_in_dim3A_130 = arith.constant 5 : i32
        %broadcast_in_dim3A_131 = vector.broadcast %broadcast_in_dim3A_130 : i32 to vector<16xi32>
        %broadcast_in_dim3A_132 = vector.shape_cast %broadcast_in_dim3A_131 : vector<16xi32> to vector<16x1xi32>
        %gather3A_133 = vector.shape_cast %broadcast_in_dim3A_132 : vector<16x1xi32> to vector<16xi32>
        %gather3A_134 = tpu.dynamic_gather %exp3A[%gather3A_133] in [0] : vector<16xf32>, vector<16xi32> -> vector<16xf32>
        %mul3A_135 = arith.mulf %get3A_129, %gather3A_134 : vector<16xf32>
        %swap3A_136 = arith.index_cast %scan3A_33 : i32 to index
        %swap3A_137 = arith.constant 80 : index
        %swap3A_138 = tpu.vector_load %arg16[%swap3A_136, %swap3A_137] {strides = array<i32>} : memref<128x128xf32, #tpu.memory_space<vmem>>, vector<1x16xf32>,
        %swap3A_139 = vector.shape_cast %swap3A_138 : vector<1x16xf32> to vector<16xf32>
        %swap3A_140 = vector.shape_cast %mul3A_135 : vector<16xf32> to vector<1x16xf32>
        tpu.vector_store %arg16[%swap3A_136, %swap3A_137], %swap3A_140 {strides = array<i32>} : memref<128x128xf32, #tpu.memory_space<vmem>>, vector<1x16xf32>,
        %get3A_141 = arith.index_cast %scan3A_33 : i32 to index
        %get3A_142 = arith.constant 96 : index
        %get3A_143 = tpu.vector_load %arg16[%get3A_141, %get3A_142] {strides = array<i32>} : memref<128x128xf32, #tpu.memory_space<vmem>>, vector<1x16xf32>,
        %get3A_144 = vector.shape_cast %get3A_143 : vector<1x16xf32> to vector<16xf32>
        %broadcast_in_dim3A_145 = arith.constant 6 : i32
        %broadcast_in_dim3A_146 = vector.broadcast %broadcast_in_dim3A_145 : i32 to vector<16xi32>
        %broadcast_in_dim3A_147 = vector.shape_cast %broadcast_in_dim3A_146 : vector<16xi32> to vector<16x1xi32>
        %gather3A_148 = vector.shape_cast %broadcast_in_dim3A_147 : vector<16x1xi32> to vector<16xi32>
        %gather3A_149 = tpu.dynamic_gather %exp3A[%gather3A_148] in [0] : vector<16xf32>, vector<16xi32> -> vector<16xf32>
        %mul3A_150 = arith.mulf %get3A_144, %gather3A_149 : vector<16xf32>
        %swap3A_151 = arith.index_cast %scan3A_33 : i32 to index
        %swap3A_152 = arith.constant 96 : index
        %swap3A_153 = tpu.vector_load %arg16[%swap3A_151, %swap3A_152] {strides = array<i32>} : memref<128x128xf32, #tpu.memory_space<vmem>>, vector<1x16xf32>,
        %swap3A_154 = vector.shape_cast %swap3A_153 : vector<1x16xf32> to vector<16xf32>
        %swap3A_155 = vector.shape_cast %mul3A_150 : vector<16xf32> to vector<1x16xf32>
        tpu.vector_store %arg16[%swap3A_151, %swap3A_152], %swap3A_155 {strides = array<i32>} : memref<128x128xf32, #tpu.memory_space<vmem>>, vector<1x16xf32>,
        %get3A_156 = arith.index_cast %scan3A_33 : i32 to index
        %get3A_157 = arith.constant 112 : index
        %get3A_158 = tpu.vector_load %arg16[%get3A_156, %get3A_157] {strides = array<i32>} : memref<128x128xf32, #tpu.memory_space<vmem>>, vector<1x16xf32>,
        %get3A_159 = vector.shape_cast %get3A_158 : vector<1x16xf32> to vector<16xf32>
        %broadcast_in_dim3A_160 = arith.constant 7 : i32
        %broadcast_in_dim3A_161 = vector.broadcast %broadcast_in_dim3A_160 : i32 to vector<16xi32>
        %broadcast_in_dim3A_162 = vector.shape_cast %broadcast_in_dim3A_161 : vector<16xi32> to vector<16x1xi32>
        %gather3A_163 = vector.shape_cast %broadcast_in_dim3A_162 : vector<16x1xi32> to vector<16xi32>
        %gather3A_164 = tpu.dynamic_gather %exp3A[%gather3A_163] in [0] : vector<16xf32>, vector<16xi32> -> vector<16xf32>
        %mul3A_165 = arith.mulf %get3A_159, %gather3A_164 : vector<16xf32>
        %swap3A_166 = arith.index_cast %scan3A_33 : i32 to index
        %swap3A_167 = arith.constant 112 : index
        %swap3A_168 = tpu.vector_load %arg16[%swap3A_166, %swap3A_167] {strides = array<i32>} : memref<128x128xf32, #tpu.memory_space<vmem>>, vector<1x16xf32>,
        %swap3A_169 = vector.shape_cast %swap3A_168 : vector<1x16xf32> to vector<16xf32>
        %swap3A_170 = vector.shape_cast %mul3A_165 : vector<16xf32> to vector<1x16xf32>
        tpu.vector_store %arg16[%swap3A_166, %swap3A_167], %swap3A_170 {strides = array<i32>} : memref<128x128xf32, #tpu.memory_space<vmem>>, vector<1x16xf32>,
      }
      %scan3A_30 = arith.constant 128 : i32
      %run_scoped3A_31 = arith.constant 0 : i32
      "tpu.region"() ({
        %run_scoped3A_33 = tpu.sem_alloc : memref<!tpu.dma_semaphore, #tpu.memory_space<semaphore_mem>>
        %dma_start3A = arith.constant 0 : i32
        %dma_start3A_34 = tpu.memref_slice %arg12[%run_scoped3A_31, %dma_start3A] : memref<1x128xi32, #tpu.memory_space<vmem>> -> memref<1x128xi32, #tpu.memory_space<vmem>>
        %dma_start3A_35 = tpu.memref_squeeze %dma_start3A_34 : memref<1x128xi32, #tpu.memory_space<vmem>> -> memref<128xi32, #tpu.memory_space<vmem>>
        %dma_start3A_36 = arith.constant 0 : i32
        %dma_start3A_37 = arith.constant 0 : i32
        %dma_start3A_38 = tpu.memref_slice %arg18[%dma_start3A_36, %dma_start3A_37] : memref<10240x128xf32, #tpu.memory_space<vmem_shared>> -> memref<10240x128xf32, #tpu.memory_space<vmem_shared>>
        tpu.enqueue_indirect_dma source(%arg16 : memref<128x128xf32, #tpu.memory_space<vmem>>) target(%dma_start3A_38 : memref<10240x128xf32, #tpu.memory_space<vmem_shared>>) offsets(%dma_start3A_35 : memref<128xi32, #tpu.memory_space<vmem>>) semaphore(%run_scoped3A_33 : memref<!tpu.dma_semaphore, #tpu.memory_space<semaphore_mem>>) {add = true}
        %dma_wait3A = arith.constant 0 : i32
        %dma_wait3A_39 = tpu.memref_slice %arg12[%run_scoped3A_31, %dma_wait3A] : memref<1x128xi32, #tpu.memory_space<vmem>> -> memref<1x128xi32, #tpu.memory_space<vmem>>
        %dma_wait3A_40 = tpu.memref_squeeze %dma_wait3A_39 : memref<1x128xi32, #tpu.memory_space<vmem>> -> memref<128xi32, #tpu.memory_space<vmem>>
        %dma_wait3A_41 = arith.constant 0 : i32
        %dma_wait3A_42 = arith.constant 0 : i32
        %dma_wait3A_43 = tpu.memref_slice %arg18[%dma_wait3A_41, %dma_wait3A_42] : memref<10240x128xf32, #tpu.memory_space<vmem_shared>> -> memref<10240x128xf32, #tpu.memory_space<vmem_shared>>
        tpu.wait_indirect_dma semaphore(%run_scoped3A_33 : memref<!tpu.dma_semaphore, #tpu.memory_space<semaphore_mem>>) src(%arg16 : memref<128x128xf32, #tpu.memory_space<vmem>>) dst(%dma_wait3A_43 : memref<10240x128xf32, #tpu.memory_space<vmem_shared>>)
        tpu.yield
      }) : () -> ()
      %run_scoped3A_32 = arith.constant 0 : i32
      "tpu.region"() ({
        %run_scoped3A_33 = tpu.sem_alloc : memref<!tpu.dma_semaphore, #tpu.memory_space<semaphore_mem>>
        %dma_start3A = arith.constant 0 : i32
        %dma_start3A_34 = tpu.memref_slice %arg12[%run_scoped3A_32, %dma_start3A] : memref<1x128xi32, #tpu.memory_space<vmem>> -> memref<1x128xi32, #tpu.memory_space<vmem>>
        %dma_start3A_35 = tpu.memref_squeeze %dma_start3A_34 : memref<1x128xi32, #tpu.memory_space<vmem>> -> memref<128xi32, #tpu.memory_space<vmem>>
        %dma_start3A_36 = arith.constant 0 : i32
        %dma_start3A_37 = arith.constant 0 : i32
        %dma_start3A_38 = tpu.memref_slice %arg19[%dma_start3A_36, %dma_start3A_37] : memref<10240x16xf32, #tpu.memory_space<vmem_shared>> -> memref<10240x16xf32, #tpu.memory_space<vmem_shared>>
        tpu.enqueue_indirect_dma source(%arg15 : memref<128x16xf32, #tpu.memory_space<vmem>>) target(%dma_start3A_38 : memref<10240x16xf32, #tpu.memory_space<vmem_shared>>) offsets(%dma_start3A_35 : memref<128xi32, #tpu.memory_space<vmem>>) semaphore(%run_scoped3A_33 : memref<!tpu.dma_semaphore, #tpu.memory_space<semaphore_mem>>) {add = true}
        %dma_wait3A = arith.constant 0 : i32
        %dma_wait3A_39 = tpu.memref_slice %arg12[%run_scoped3A_32, %dma_wait3A] : memref<1x128xi32, #tpu.memory_space<vmem>> -> memref<1x128xi32, #tpu.memory_space<vmem>>
        %dma_wait3A_40 = tpu.memref_squeeze %dma_wait3A_39 : memref<1x128xi32, #tpu.memory_space<vmem>> -> memref<128xi32, #tpu.memory_space<vmem>>
        %dma_wait3A_41 = arith.constant 0 : i32
        %dma_wait3A_42 = arith.constant 0 : i32
        %dma_wait3A_43 = tpu.memref_slice %arg19[%dma_wait3A_41, %dma_wait3A_42] : memref<10240x16xf32, #tpu.memory_space<vmem_shared>> -> memref<10240x16xf32, #tpu.memory_space<vmem_shared>>
        tpu.wait_indirect_dma semaphore(%run_scoped3A_33 : memref<!tpu.dma_semaphore, #tpu.memory_space<semaphore_mem>>) src(%arg15 : memref<128x16xf32, #tpu.memory_space<vmem>>) dst(%dma_wait3A_43 : memref<10240x16xf32, #tpu.memory_space<vmem_shared>>)
        tpu.yield
      }) : () -> ()
    }
    %scan3A_16 = arith.constant 80 : i32
    %barrier3A_17 = arith.constant 0 : index
    tpu.barrier barrier_id(%barrier3A_17)
    "tpu.region"() ({
      %run_scoped3A = tpu.sem_alloc : memref<!tpu.dma_semaphore, #tpu.memory_space<semaphore_mem>>
      %dma_start3A = arith.constant 0 : i32
      %dma_start3A_18 = tpu.memref_slice %arg9[%arg0, %mul3A_2, %dma_start3A] : memref<2x10240x128xf32, #tpu.memory_space<hbm>> -> memref<1x640x128xf32, #tpu.memory_space<hbm>>
      %dma_start3A_19 = tpu.memref_squeeze %dma_start3A_18 : memref<1x640x128xf32, #tpu.memory_space<hbm>> -> memref<640x128xf32, #tpu.memory_space<hbm>>
      %dma_start3A_20 = arith.constant 0 : i32
      %dma_start3A_21 = tpu.memref_slice %arg18[%mul3A_2, %dma_start3A_20] : memref<10240x128xf32, #tpu.memory_space<vmem_shared>> -> memref<640x128xf32, #tpu.memory_space<vmem_shared>>
      tpu.enqueue_dma source(%dma_start3A_21 : memref<640x128xf32, #tpu.memory_space<vmem_shared>>) target(%dma_start3A_19 : memref<640x128xf32, #tpu.memory_space<hbm>>) target_semaphore(%run_scoped3A : memref<!tpu.dma_semaphore, #tpu.memory_space<semaphore_mem>>)
      %dma_wait3A = arith.constant 0 : i32
      %dma_wait3A_22 = tpu.memref_slice %arg9[%arg0, %mul3A_2, %dma_wait3A] : memref<2x10240x128xf32, #tpu.memory_space<hbm>> -> memref<1x640x128xf32, #tpu.memory_space<hbm>>
      %dma_wait3A_23 = tpu.memref_squeeze %dma_wait3A_22 : memref<1x640x128xf32, #tpu.memory_space<hbm>> -> memref<640x128xf32, #tpu.memory_space<hbm>>
      %dma_wait3A_24 = arith.constant 0 : i32
      %dma_wait3A_25 = tpu.memref_slice %arg18[%mul3A_2, %dma_wait3A_24] : memref<10240x128xf32, #tpu.memory_space<vmem_shared>> -> memref<640x128xf32, #tpu.memory_space<vmem_shared>>
      tpu.wait_dma2 semaphore(%run_scoped3A : memref<!tpu.dma_semaphore, #tpu.memory_space<semaphore_mem>>) src(%dma_wait3A_25 : memref<640x128xf32, #tpu.memory_space<vmem_shared>>) dst(%dma_wait3A_23 : memref<640x128xf32, #tpu.memory_space<hbm>>)
      tpu.yield
    }) : () -> ()
    "tpu.region"() ({
      %run_scoped3A = tpu.sem_alloc : memref<!tpu.dma_semaphore, #tpu.memory_space<semaphore_mem>>
      %dma_start3A = arith.constant 0 : i32
      %dma_start3A_18 = tpu.memref_slice %arg10[%arg0, %mul3A_2, %dma_start3A] : memref<2x10240x16xf32, #tpu.memory_space<hbm>> -> memref<1x640x16xf32, #tpu.memory_space<hbm>>
      %dma_start3A_19 = tpu.memref_squeeze %dma_start3A_18 : memref<1x640x16xf32, #tpu.memory_space<hbm>> -> memref<640x16xf32, #tpu.memory_space<hbm>>
      %dma_start3A_20 = arith.constant 0 : i32
      %dma_start3A_21 = tpu.memref_slice %arg19[%mul3A_2, %dma_start3A_20] : memref<10240x16xf32, #tpu.memory_space<vmem_shared>> -> memref<640x16xf32, #tpu.memory_space<vmem_shared>>
      tpu.enqueue_dma source(%dma_start3A_21 : memref<640x16xf32, #tpu.memory_space<vmem_shared>>) target(%dma_start3A_19 : memref<640x16xf32, #tpu.memory_space<hbm>>) target_semaphore(%run_scoped3A : memref<!tpu.dma_semaphore, #tpu.memory_space<semaphore_mem>>)
      %dma_wait3A = arith.constant 0 : i32
      %dma_wait3A_22 = tpu.memref_slice %arg10[%arg0, %mul3A_2, %dma_wait3A] : memref<2x10240x16xf32, #tpu.memory_space<hbm>> -> memref<1x640x16xf32, #tpu.memory_space<hbm>>
      %dma_wait3A_23 = tpu.memref_squeeze %dma_wait3A_22 : memref<1x640x16xf32, #tpu.memory_space<hbm>> -> memref<640x16xf32, #tpu.memory_space<hbm>>
      %dma_wait3A_24 = arith.constant 0 : i32
      %dma_wait3A_25 = tpu.memref_slice %arg19[%mul3A_2, %dma_wait3A_24] : memref<10240x16xf32, #tpu.memory_space<vmem_shared>> -> memref<640x16xf32, #tpu.memory_space<vmem_shared>>
      tpu.wait_dma2 semaphore(%run_scoped3A : memref<!tpu.dma_semaphore, #tpu.memory_space<semaphore_mem>>) src(%dma_wait3A_25 : memref<640x16xf32, #tpu.memory_space<vmem_shared>>) dst(%dma_wait3A_23 : memref<640x16xf32, #tpu.memory_space<hbm>>)
      tpu.yield
    }) : () -> ()
    return
  }
}

#map = affine_map<(d0, d1) -> (0, 0)>
#map1 = affine_map<(d0, d1) -> (0)>
module attributes {stable_mosaic.version = 14 : i64} {
  func.func @_sc2_body(%arg0: i32, %arg1: i32, %arg2: memref<2560x128xi32, #tpu.memory_space<hbm>>, %arg3: memref<2560x128xi32, #tpu.memory_space<hbm>>, %arg4: memref<10240xf32, #tpu.memory_space<hbm>>, %arg5: memref<16xf32, #tpu.memory_space<hbm>>, %arg6: memref<10240xf32, #tpu.memory_space<hbm>>, %arg7: memref<2x10240xf32, #tpu.memory_space<hbm>>, %arg8: memref<2x10240xf32, #tpu.memory_space<hbm>>, %arg9: memref<80x128xi32, #tpu.memory_space<vmem>>, %arg10: memref<80x128xi32, #tpu.memory_space<vmem>>, %arg11: memref<10240xf32, #tpu.memory_space<vmem>>, %arg12: memref<16xf32, #tpu.memory_space<vmem>>, %arg13: memref<128xf32, #tpu.memory_space<vmem>>, %arg14: memref<128xf32, #tpu.memory_space<vmem>>, %arg15: memref<10240xf32, #tpu.memory_space<vmem_shared>>, %arg16: memref<10240xf32, #tpu.memory_space<vmem_shared>>) attributes {dimension_semantics = [#tpu.dimension_semantics<core_parallel>, #tpu.dimension_semantics<subcore_parallel>], iteration_bounds = array<i64: 2, 16>, scalar_prefetch = 0 : i64, scratch_operands = 8 : i64, tpu.core_type = #tpu.core_type<sc_vector_subcore>, window_params = [{transform_indices = #map}, {transform_indices = #map}, {transform_indices = #map1}, {transform_indices = #map1}, {transform_indices = #map1}, {transform_indices = #map}, {transform_indices = #map}]} {
    %mul3A = arith.constant 2 : i32
    %mul3A_0 = arith.muli %arg1, %mul3A : i32
    %add3A = arith.addi %mul3A_0, %arg0 : i32
    %mul3A_1 = arith.constant 640 : i32
    %mul3A_2 = arith.muli %arg1, %mul3A_1 : i32
    "tpu.region"() ({
      %run_scoped3A = tpu.sem_alloc : memref<!tpu.dma_semaphore, #tpu.memory_space<semaphore_mem>>
      %dma_start3A = tpu.memref_slice %arg15[%mul3A_2] : memref<10240xf32, #tpu.memory_space<vmem_shared>> -> memref<640xf32, #tpu.memory_space<vmem_shared>>
      %dma_start3A_26 = tpu.memref_slice %arg6[%mul3A_2] : memref<10240xf32, #tpu.memory_space<hbm>> -> memref<640xf32, #tpu.memory_space<hbm>>
      tpu.enqueue_dma source(%dma_start3A_26 : memref<640xf32, #tpu.memory_space<hbm>>) target(%dma_start3A : memref<640xf32, #tpu.memory_space<vmem_shared>>) target_semaphore(%run_scoped3A : memref<!tpu.dma_semaphore, #tpu.memory_space<semaphore_mem>>)
      %dma_wait3A = tpu.memref_slice %arg15[%mul3A_2] : memref<10240xf32, #tpu.memory_space<vmem_shared>> -> memref<640xf32, #tpu.memory_space<vmem_shared>>
      %dma_wait3A_27 = tpu.memref_slice %arg6[%mul3A_2] : memref<10240xf32, #tpu.memory_space<hbm>> -> memref<640xf32, #tpu.memory_space<hbm>>
      tpu.wait_dma2 semaphore(%run_scoped3A : memref<!tpu.dma_semaphore, #tpu.memory_space<semaphore_mem>>) src(%dma_wait3A_27 : memref<640xf32, #tpu.memory_space<hbm>>) dst(%dma_wait3A : memref<640xf32, #tpu.memory_space<vmem_shared>>)
      tpu.yield
    }) : () -> ()
    "tpu.region"() ({
      %run_scoped3A = tpu.sem_alloc : memref<!tpu.dma_semaphore, #tpu.memory_space<semaphore_mem>>
      %dma_start3A = tpu.memref_slice %arg16[%mul3A_2] : memref<10240xf32, #tpu.memory_space<vmem_shared>> -> memref<640xf32, #tpu.memory_space<vmem_shared>>
      %dma_start3A_26 = tpu.memref_slice %arg6[%mul3A_2] : memref<10240xf32, #tpu.memory_space<hbm>> -> memref<640xf32, #tpu.memory_space<hbm>>
      tpu.enqueue_dma source(%dma_start3A_26 : memref<640xf32, #tpu.memory_space<hbm>>) target(%dma_start3A : memref<640xf32, #tpu.memory_space<vmem_shared>>) target_semaphore(%run_scoped3A : memref<!tpu.dma_semaphore, #tpu.memory_space<semaphore_mem>>)
      %dma_wait3A = tpu.memref_slice %arg16[%mul3A_2] : memref<10240xf32, #tpu.memory_space<vmem_shared>> -> memref<640xf32, #tpu.memory_space<vmem_shared>>
      %dma_wait3A_27 = tpu.memref_slice %arg6[%mul3A_2] : memref<10240xf32, #tpu.memory_space<hbm>> -> memref<640xf32, #tpu.memory_space<hbm>>
      tpu.wait_dma2 semaphore(%run_scoped3A : memref<!tpu.dma_semaphore, #tpu.memory_space<semaphore_mem>>) src(%dma_wait3A_27 : memref<640xf32, #tpu.memory_space<hbm>>) dst(%dma_wait3A : memref<640xf32, #tpu.memory_space<vmem_shared>>)
      tpu.yield
    }) : () -> ()
    "tpu.region"() ({
      %run_scoped3A = tpu.sem_alloc : memref<!tpu.dma_semaphore, #tpu.memory_space<semaphore_mem>>
      tpu.enqueue_dma source(%arg4 : memref<10240xf32, #tpu.memory_space<hbm>>) target(%arg11 : memref<10240xf32, #tpu.memory_space<vmem>>) target_semaphore(%run_scoped3A : memref<!tpu.dma_semaphore, #tpu.memory_space<semaphore_mem>>)
      tpu.wait_dma2 semaphore(%run_scoped3A : memref<!tpu.dma_semaphore, #tpu.memory_space<semaphore_mem>>) src(%arg4 : memref<10240xf32, #tpu.memory_space<hbm>>) dst(%arg11 : memref<10240xf32, #tpu.memory_space<vmem>>)
      tpu.yield
    }) : () -> ()
    "tpu.region"() ({
      %run_scoped3A = tpu.sem_alloc : memref<!tpu.dma_semaphore, #tpu.memory_space<semaphore_mem>>
      tpu.enqueue_dma source(%arg5 : memref<16xf32, #tpu.memory_space<hbm>>) target(%arg12 : memref<16xf32, #tpu.memory_space<vmem>>) target_semaphore(%run_scoped3A : memref<!tpu.dma_semaphore, #tpu.memory_space<semaphore_mem>>)
      tpu.wait_dma2 semaphore(%run_scoped3A : memref<!tpu.dma_semaphore, #tpu.memory_space<semaphore_mem>>) src(%arg5 : memref<16xf32, #tpu.memory_space<hbm>>) dst(%arg12 : memref<16xf32, #tpu.memory_space<vmem>>)
      tpu.yield
    }) : () -> ()
    %mul3A_3 = arith.constant 80 : i32
    %mul3A_4 = arith.muli %add3A, %mul3A_3 : i32
    "tpu.region"() ({
      %run_scoped3A = tpu.sem_alloc : memref<!tpu.dma_semaphore, #tpu.memory_space<semaphore_mem>>
      %dma_start3A = arith.constant 0 : i32
      %dma_start3A_26 = tpu.memref_slice %arg2[%mul3A_4, %dma_start3A] : memref<2560x128xi32, #tpu.memory_space<hbm>> -> memref<80x128xi32, #tpu.memory_space<hbm>>
      %dma_start3A_27 = arith.constant 0 : i32
      %dma_start3A_28 = tpu.memref_slice %arg2[%mul3A_4, %dma_start3A_27] : memref<2560x128xi32, #tpu.memory_space<hbm>> -> memref<80x128xi32, #tpu.memory_space<hbm>>
      tpu.enqueue_dma source(%dma_start3A_28 : memref<80x128xi32, #tpu.memory_space<hbm>>) target(%arg9 : memref<80x128xi32, #tpu.memory_space<vmem>>) target_semaphore(%run_scoped3A : memref<!tpu.dma_semaphore, #tpu.memory_space<semaphore_mem>>)
      %dma_wait3A = arith.constant 0 : i32
      %dma_wait3A_29 = tpu.memref_slice %arg2[%mul3A_4, %dma_wait3A] : memref<2560x128xi32, #tpu.memory_space<hbm>> -> memref<80x128xi32, #tpu.memory_space<hbm>>
      %dma_wait3A_30 = arith.constant 0 : i32
      %dma_wait3A_31 = tpu.memref_slice %arg2[%mul3A_4, %dma_wait3A_30] : memref<2560x128xi32, #tpu.memory_space<hbm>> -> memref<80x128xi32, #tpu.memory_space<hbm>>
      tpu.wait_dma2 semaphore(%run_scoped3A : memref<!tpu.dma_semaphore, #tpu.memory_space<semaphore_mem>>) src(%dma_wait3A_31 : memref<80x128xi32, #tpu.memory_space<hbm>>) dst(%arg9 : memref<80x128xi32, #tpu.memory_space<vmem>>)
      tpu.yield
    }) : () -> ()
    "tpu.region"() ({
      %run_scoped3A = tpu.sem_alloc : memref<!tpu.dma_semaphore, #tpu.memory_space<semaphore_mem>>
      %dma_start3A = arith.constant 0 : i32
      %dma_start3A_26 = tpu.memref_slice %arg3[%mul3A_4, %dma_start3A] : memref<2560x128xi32, #tpu.memory_space<hbm>> -> memref<80x128xi32, #tpu.memory_space<hbm>>
      %dma_start3A_27 = arith.constant 0 : i32
      %dma_start3A_28 = tpu.memref_slice %arg3[%mul3A_4, %dma_start3A_27] : memref<2560x128xi32, #tpu.memory_space<hbm>> -> memref<80x128xi32, #tpu.memory_space<hbm>>
      tpu.enqueue_dma source(%dma_start3A_28 : memref<80x128xi32, #tpu.memory_space<hbm>>) target(%arg10 : memref<80x128xi32, #tpu.memory_space<vmem>>) target_semaphore(%run_scoped3A : memref<!tpu.dma_semaphore, #tpu.memory_space<semaphore_mem>>)
      %dma_wait3A = arith.constant 0 : i32
      %dma_wait3A_29 = tpu.memref_slice %arg3[%mul3A_4, %dma_wait3A] : memref<2560x128xi32, #tpu.memory_space<hbm>> -> memref<80x128xi32, #tpu.memory_space<hbm>>
      %dma_wait3A_30 = arith.constant 0 : i32
      %dma_wait3A_31 = tpu.memref_slice %arg3[%mul3A_4, %dma_wait3A_30] : memref<2560x128xi32, #tpu.memory_space<hbm>> -> memref<80x128xi32, #tpu.memory_space<hbm>>
      tpu.wait_dma2 semaphore(%run_scoped3A : memref<!tpu.dma_semaphore, #tpu.memory_space<semaphore_mem>>) src(%dma_wait3A_31 : memref<80x128xi32, #tpu.memory_space<hbm>>) dst(%arg10 : memref<80x128xi32, #tpu.memory_space<vmem>>)
      tpu.yield
    }) : () -> ()
    %barrier3A = arith.constant 0 : index
    tpu.barrier barrier_id(%barrier3A)
    %get3A = arith.constant 0 : index
    %get3A_5 = tpu.vector_load %arg12[%get3A] {strides = array<i32>} : memref<16xf32, #tpu.memory_space<vmem>>, vector<16xf32>,
    %get3A_6 = vector.shape_cast %get3A_5 : vector<16xf32> to vector<16xf32>
    %broadcast_in_dim3A = arith.constant 0 : i32
    %broadcast_in_dim3A_7 = vector.broadcast %broadcast_in_dim3A : i32 to vector<16xi32>
    %broadcast_in_dim3A_8 = vector.shape_cast %broadcast_in_dim3A_7 : vector<16xi32> to vector<16x1xi32>
    %gather3A = vector.shape_cast %broadcast_in_dim3A_8 : vector<16x1xi32> to vector<16xi32>
    %gather3A_9 = tpu.dynamic_gather %get3A_6[%gather3A] in [0] : vector<16xf32>, vector<16xi32> -> vector<16xf32>
    %broadcast_in_dim3A_10 = arith.constant 1 : i32
    %broadcast_in_dim3A_11 = vector.broadcast %broadcast_in_dim3A_10 : i32 to vector<16xi32>
    %broadcast_in_dim3A_12 = vector.shape_cast %broadcast_in_dim3A_11 : vector<16xi32> to vector<16x1xi32>
    %gather3A_13 = vector.shape_cast %broadcast_in_dim3A_12 : vector<16x1xi32> to vector<16xi32>
    %gather3A_14 = tpu.dynamic_gather %get3A_6[%gather3A_13] in [0] : vector<16xf32>, vector<16xi32> -> vector<16xf32>
    %broadcast_in_dim3A_15 = arith.constant 2 : i32
    %broadcast_in_dim3A_16 = vector.broadcast %broadcast_in_dim3A_15 : i32 to vector<16xi32>
    %broadcast_in_dim3A_17 = vector.shape_cast %broadcast_in_dim3A_16 : vector<16xi32> to vector<16x1xi32>
    %gather3A_18 = vector.shape_cast %broadcast_in_dim3A_17 : vector<16x1xi32> to vector<16xi32>
    %gather3A_19 = tpu.dynamic_gather %get3A_6[%gather3A_18] in [0] : vector<16xf32>, vector<16xi32> -> vector<16xf32>
    %scan3A = arith.constant 0 : i32
    %scan3A_20 = arith.constant 0 : i32
    %scan3A_21 = arith.constant 80 : i32
    %scan3A_22 = arith.addi %scan3A_20, %scan3A_21 : i32
    %scan3A_23 = arith.constant 1 : i32
    scf.for %scan3A_26 = %scan3A_20 to %scan3A_22 step %scan3A_23  : i32 {
      %scan3A_27 = arith.constant 0 : i32
      %scan3A_28 = arith.constant 0 : i32
      %scan3A_29 = arith.constant 8 : i32
      %scan3A_30 = arith.addi %scan3A_28, %scan3A_29 : i32
      %scan3A_31 = arith.constant 1 : i32
      scf.for %scan3A_33 = %scan3A_28 to %scan3A_30 step %scan3A_31  : i32 {
        %mul3A_34 = arith.constant 16 : i32
        %mul3A_35 = arith.muli %mul3A_34, %scan3A_33 : i32
        %get3A_36 = arith.index_cast %scan3A_26 : i32 to index
        %get3A_37 = arith.index_cast %mul3A_35 : i32 to index
        %get3A_38 = tpu.vector_load %arg9[%get3A_36, %get3A_37] {strides = array<i32>} : memref<80x128xi32, #tpu.memory_space<vmem>>, vector<16xi32>,
        %mul3A_39 = arith.constant 16 : i32
        %mul3A_40 = arith.muli %mul3A_39, %scan3A_33 : i32
        %get3A_41 = arith.index_cast %scan3A_26 : i32 to index
        %get3A_42 = arith.index_cast %mul3A_40 : i32 to index
        %get3A_43 = tpu.vector_load %arg10[%get3A_41, %get3A_42] {strides = array<i32>} : memref<80x128xi32, #tpu.memory_space<vmem>>, vector<16xi32>,
        %gather3A_44 = tpu.vector_load_idx %arg11[%get3A_38] : memref<10240xf32, #tpu.memory_space<vmem>>[vector<16xi32>], vector<16xf32>,
        %gather3A_45 = tpu.vector_load_idx %arg11[%get3A_43] : memref<10240xf32, #tpu.memory_space<vmem>>[vector<16xi32>], vector<16xf32>,
        %mul3A_46 = arith.mulf %gather3A_9, %gather3A_44 : vector<16xf32>
        %mul3A_47 = arith.mulf %gather3A_14, %gather3A_45 : vector<16xf32>
        %add3A_48 = arith.addf %mul3A_46, %mul3A_47 : vector<16xf32>
        %mul3A_49 = arith.constant 2.000000e-01 : f32
        %mul3A_50 = vector.broadcast %mul3A_49 : f32 to vector<16xf32>
        %mul3A_51 = arith.mulf %mul3A_50, %add3A_48 : vector<16xf32>
        %max3A = arith.maximumf %add3A_48, %mul3A_51 : vector<16xf32>
        %sub3A = arith.subf %max3A, %gather3A_19 : vector<16xf32>
        %exp3A = math.exp %sub3A : vector<16xf32>
        %mul3A_52 = arith.constant 16 : i32
        %mul3A_53 = arith.muli %mul3A_52, %scan3A_33 : i32
        %swap3A = arith.index_cast %mul3A_53 : i32 to index
        %swap3A_54 = tpu.vector_load %arg13[%swap3A] {strides = array<i32>} : memref<128xf32, #tpu.memory_space<vmem>>, vector<16xf32>,
        tpu.vector_store %arg13[%swap3A], %exp3A {strides = array<i32>} : memref<128xf32, #tpu.memory_space<vmem>>, vector<16xf32>,
        %mul3A_55 = arith.mulf %exp3A, %gather3A_44 : vector<16xf32>
        %mul3A_56 = arith.constant 16 : i32
        %mul3A_57 = arith.muli %mul3A_56, %scan3A_33 : i32
        %swap3A_58 = arith.index_cast %mul3A_57 : i32 to index
        %swap3A_59 = tpu.vector_load %arg14[%swap3A_58] {strides = array<i32>} : memref<128xf32, #tpu.memory_space<vmem>>, vector<16xf32>,
        tpu.vector_store %arg14[%swap3A_58], %mul3A_55 {strides = array<i32>} : memref<128xf32, #tpu.memory_space<vmem>>, vector<16xf32>,
      }
      %scan3A_32 = arith.constant 8 : i32
      "tpu.region"() ({
        %run_scoped3A = tpu.sem_alloc : memref<!tpu.dma_semaphore, #tpu.memory_space<semaphore_mem>>
        %dma_start3A = arith.constant 0 : i32
        %dma_start3A_33 = tpu.memref_slice %arg10[%scan3A_26, %dma_start3A] : memref<80x128xi32, #tpu.memory_space<vmem>> -> memref<1x128xi32, #tpu.memory_space<vmem>>
        %dma_start3A_34 = tpu.memref_squeeze %dma_start3A_33 : memref<1x128xi32, #tpu.memory_space<vmem>> -> memref<128xi32, #tpu.memory_space<vmem>>
        %dma_start3A_35 = arith.constant 0 : i32
        %dma_start3A_36 = tpu.memref_slice %arg16[%dma_start3A_35] : memref<10240xf32, #tpu.memory_space<vmem_shared>> -> memref<10240xf32, #tpu.memory_space<vmem_shared>>
        tpu.enqueue_indirect_dma source(%arg13 : memref<128xf32, #tpu.memory_space<vmem>>) target(%dma_start3A_36 : memref<10240xf32, #tpu.memory_space<vmem_shared>>) offsets(%dma_start3A_34 : memref<128xi32, #tpu.memory_space<vmem>>) semaphore(%run_scoped3A : memref<!tpu.dma_semaphore, #tpu.memory_space<semaphore_mem>>) {add = true}
        %dma_wait3A = arith.constant 0 : i32
        %dma_wait3A_37 = tpu.memref_slice %arg10[%scan3A_26, %dma_wait3A] : memref<80x128xi32, #tpu.memory_space<vmem>> -> memref<1x128xi32, #tpu.memory_space<vmem>>
        %dma_wait3A_38 = tpu.memref_squeeze %dma_wait3A_37 : memref<1x128xi32, #tpu.memory_space<vmem>> -> memref<128xi32, #tpu.memory_space<vmem>>
        %dma_wait3A_39 = arith.constant 0 : i32
        %dma_wait3A_40 = tpu.memref_slice %arg16[%dma_wait3A_39] : memref<10240xf32, #tpu.memory_space<vmem_shared>> -> memref<10240xf32, #tpu.memory_space<vmem_shared>>
        tpu.wait_indirect_dma semaphore(%run_scoped3A : memref<!tpu.dma_semaphore, #tpu.memory_space<semaphore_mem>>) src(%arg13 : memref<128xf32, #tpu.memory_space<vmem>>) dst(%dma_wait3A_40 : memref<10240xf32, #tpu.memory_space<vmem_shared>>)
        tpu.yield
      }) : () -> ()
      "tpu.region"() ({
        %run_scoped3A = tpu.sem_alloc : memref<!tpu.dma_semaphore, #tpu.memory_space<semaphore_mem>>
        %dma_start3A = arith.constant 0 : i32
        %dma_start3A_33 = tpu.memref_slice %arg10[%scan3A_26, %dma_start3A] : memref<80x128xi32, #tpu.memory_space<vmem>> -> memref<1x128xi32, #tpu.memory_space<vmem>>
        %dma_start3A_34 = tpu.memref_squeeze %dma_start3A_33 : memref<1x128xi32, #tpu.memory_space<vmem>> -> memref<128xi32, #tpu.memory_space<vmem>>
        %dma_start3A_35 = arith.constant 0 : i32
        %dma_start3A_36 = tpu.memref_slice %arg15[%dma_start3A_35] : memref<10240xf32, #tpu.memory_space<vmem_shared>> -> memref<10240xf32, #tpu.memory_space<vmem_shared>>
        tpu.enqueue_indirect_dma source(%arg14 : memref<128xf32, #tpu.memory_space<vmem>>) target(%dma_start3A_36 : memref<10240xf32, #tpu.memory_space<vmem_shared>>) offsets(%dma_start3A_34 : memref<128xi32, #tpu.memory_space<vmem>>) semaphore(%run_scoped3A : memref<!tpu.dma_semaphore, #tpu.memory_space<semaphore_mem>>) {add = true}
        %dma_wait3A = arith.constant 0 : i32
        %dma_wait3A_37 = tpu.memref_slice %arg10[%scan3A_26, %dma_wait3A] : memref<80x128xi32, #tpu.memory_space<vmem>> -> memref<1x128xi32, #tpu.memory_space<vmem>>
        %dma_wait3A_38 = tpu.memref_squeeze %dma_wait3A_37 : memref<1x128xi32, #tpu.memory_space<vmem>> -> memref<128xi32, #tpu.memory_space<vmem>>
        %dma_wait3A_39 = arith.constant 0 : i32
        %dma_wait3A_40 = tpu.memref_slice %arg15[%dma_wait3A_39] : memref<10240xf32, #tpu.memory_space<vmem_shared>> -> memref<10240xf32, #tpu.memory_space<vmem_shared>>
        tpu.wait_indirect_dma semaphore(%run_scoped3A : memref<!tpu.dma_semaphore, #tpu.memory_space<semaphore_mem>>) src(%arg14 : memref<128xf32, #tpu.memory_space<vmem>>) dst(%dma_wait3A_40 : memref<10240xf32, #tpu.memory_space<vmem_shared>>)
        tpu.yield
      }) : () -> ()
    }
    %scan3A_24 = arith.constant 80 : i32
    %barrier3A_25 = arith.constant 0 : index
    tpu.barrier barrier_id(%barrier3A_25)
    "tpu.region"() ({
      %run_scoped3A = tpu.sem_alloc : memref<!tpu.dma_semaphore, #tpu.memory_space<semaphore_mem>>
      %dma_start3A = tpu.memref_slice %arg7[%arg0, %mul3A_2] : memref<2x10240xf32, #tpu.memory_space<hbm>> -> memref<1x640xf32, #tpu.memory_space<hbm>>
      %dma_start3A_26 = tpu.memref_squeeze %dma_start3A : memref<1x640xf32, #tpu.memory_space<hbm>> -> memref<640xf32, #tpu.memory_space<hbm>>
      %dma_start3A_27 = tpu.memref_slice %arg15[%mul3A_2] : memref<10240xf32, #tpu.memory_space<vmem_shared>> -> memref<640xf32, #tpu.memory_space<vmem_shared>>
      tpu.enqueue_dma source(%dma_start3A_27 : memref<640xf32, #tpu.memory_space<vmem_shared>>) target(%dma_start3A_26 : memref<640xf32, #tpu.memory_space<hbm>>) target_semaphore(%run_scoped3A : memref<!tpu.dma_semaphore, #tpu.memory_space<semaphore_mem>>)
      %dma_wait3A = tpu.memref_slice %arg7[%arg0, %mul3A_2] : memref<2x10240xf32, #tpu.memory_space<hbm>> -> memref<1x640xf32, #tpu.memory_space<hbm>>
      %dma_wait3A_28 = tpu.memref_squeeze %dma_wait3A : memref<1x640xf32, #tpu.memory_space<hbm>> -> memref<640xf32, #tpu.memory_space<hbm>>
      %dma_wait3A_29 = tpu.memref_slice %arg15[%mul3A_2] : memref<10240xf32, #tpu.memory_space<vmem_shared>> -> memref<640xf32, #tpu.memory_space<vmem_shared>>
      tpu.wait_dma2 semaphore(%run_scoped3A : memref<!tpu.dma_semaphore, #tpu.memory_space<semaphore_mem>>) src(%dma_wait3A_29 : memref<640xf32, #tpu.memory_space<vmem_shared>>) dst(%dma_wait3A_28 : memref<640xf32, #tpu.memory_space<hbm>>)
      tpu.yield
    }) : () -> ()
    "tpu.region"() ({
      %run_scoped3A = tpu.sem_alloc : memref<!tpu.dma_semaphore, #tpu.memory_space<semaphore_mem>>
      %dma_start3A = tpu.memref_slice %arg8[%arg0, %mul3A_2] : memref<2x10240xf32, #tpu.memory_space<hbm>> -> memref<1x640xf32, #tpu.memory_space<hbm>>
      %dma_start3A_26 = tpu.memref_squeeze %dma_start3A : memref<1x640xf32, #tpu.memory_space<hbm>> -> memref<640xf32, #tpu.memory_space<hbm>>
      %dma_start3A_27 = tpu.memref_slice %arg16[%mul3A_2] : memref<10240xf32, #tpu.memory_space<vmem_shared>> -> memref<640xf32, #tpu.memory_space<vmem_shared>>
      tpu.enqueue_dma source(%dma_start3A_27 : memref<640xf32, #tpu.memory_space<vmem_shared>>) target(%dma_start3A_26 : memref<640xf32, #tpu.memory_space<hbm>>) target_semaphore(%run_scoped3A : memref<!tpu.dma_semaphore, #tpu.memory_space<semaphore_mem>>)
      %dma_wait3A = tpu.memref_slice %arg8[%arg0, %mul3A_2] : memref<2x10240xf32, #tpu.memory_space<hbm>> -> memref<1x640xf32, #tpu.memory_space<hbm>>
      %dma_wait3A_28 = tpu.memref_squeeze %dma_wait3A : memref<1x640xf32, #tpu.memory_space<hbm>> -> memref<640xf32, #tpu.memory_space<hbm>>
      %dma_wait3A_29 = tpu.memref_slice %arg16[%mul3A_2] : memref<10240xf32, #tpu.memory_space<vmem_shared>> -> memref<640xf32, #tpu.memory_space<vmem_shared>>
      tpu.wait_dma2 semaphore(%run_scoped3A : memref<!tpu.dma_semaphore, #tpu.memory_space<semaphore_mem>>) src(%dma_wait3A_29 : memref<640xf32, #tpu.memory_space<vmem_shared>>) dst(%dma_wait3A_28 : memref<640xf32, #tpu.memory_space<hbm>>)
      tpu.yield
    }) : () -> ()
    return
  }
}

module attributes {stable_mosaic.version = 14 : i64} {
  func.func @_tc1_body(%arg0: memref<10240x128xf32, #tpu.memory_space<vmem>>, %arg1: memref<128x128xf32, #tpu.memory_space<vmem>>, %arg2: memref<128x16xf32, #tpu.memory_space<vmem>>, %arg3: memref<10240x128xf32, #tpu.memory_space<vmem>>, %arg4: memref<10240x16xf32, #tpu.memory_space<vmem>>, %arg5: memref<1x16xf32, #tpu.memory_space<vmem>>) attributes {dimension_semantics = [], scalar_prefetch = 0 : i64, scratch_operands = 0 : i64, tpu.core_type = #tpu.core_type<tc>} {
    %get3A = arith.constant 0 : index
    %get3A_0 = arith.constant 0 : index
    %get3A_1 = vector.load %arg0[%get3A, %get3A_0] : memref<10240x128xf32, #tpu.memory_space<vmem>>, vector<10240x128xf32>
    %get3A_2 = arith.constant 0 : index
    %get3A_3 = arith.constant 0 : index
    %get3A_4 = vector.load %arg1[%get3A_2, %get3A_3] : memref<128x128xf32, #tpu.memory_space<vmem>>, vector<128x128xf32>
    %dot_general3A = arith.constant dense<0.000000e+00> : vector<10240x128xf32>
    %dot_general3A_5 = tpu.matmul %get3A_1, %get3A_4, %dot_general3A {dimension_numbers = #tpu.dot_dimension_numbers<[1], [0], [0], [1], [0, 0, 1, 1], [], []>, transpose_lhs_hint = false} : vector<10240x128xf32>, vector<128x128xf32>, vector<10240x128xf32> -> vector<10240x128xf32>
    %swap3A = arith.constant 0 : index
    %swap3A_6 = arith.constant 0 : index
    %swap3A_7 = vector.load %arg3[%swap3A, %swap3A_6] : memref<10240x128xf32, #tpu.memory_space<vmem>>, vector<10240x128xf32>
    tpu.vector_store %arg3[%swap3A, %swap3A_6], %dot_general3A_5 {strides = array<i32>} : memref<10240x128xf32, #tpu.memory_space<vmem>>, vector<10240x128xf32>,
    %get3A_8 = arith.constant 0 : index
    %get3A_9 = arith.constant 0 : index
    %get3A_10 = vector.load %arg2[%get3A_8, %get3A_9] : memref<128x16xf32, #tpu.memory_space<vmem>>, vector<128x16xf32>
    %dot_general3A_11 = arith.constant dense<0.000000e+00> : vector<10240x16xf32>
    %dot_general3A_12 = tpu.matmul %dot_general3A_5, %get3A_10, %dot_general3A_11 {dimension_numbers = #tpu.dot_dimension_numbers<[1], [0], [0], [1], [0, 0, 1, 1], [], []>, transpose_lhs_hint = false} : vector<10240x128xf32>, vector<128x16xf32>, vector<10240x16xf32> -> vector<10240x16xf32>
    %swap3A_13 = arith.constant 0 : index
    %swap3A_14 = arith.constant 0 : index
    %swap3A_15 = vector.load %arg4[%swap3A_13, %swap3A_14] : memref<10240x16xf32, #tpu.memory_space<vmem>>, vector<10240x16xf32>
    tpu.vector_store %arg4[%swap3A_13, %swap3A_14], %dot_general3A_12 {strides = array<i32>} : memref<10240x16xf32, #tpu.memory_space<vmem>>, vector<10240x16xf32>,
    %reduce_max3A = arith.constant dense<0xFF800000> : vector<16xf32>
    %reduce_max3A_16 = vector.multi_reduction <maximumf>, %dot_general3A_12, %reduce_max3A [0] : vector<10240x16xf32> to vector<16xf32>
    %broadcast_in_dim3A = vector.shape_cast %reduce_max3A_16 : vector<16xf32> to vector<1x16xf32>
    %swap3A_17 = arith.constant 0 : index
    %swap3A_18 = arith.constant 0 : index
    %swap3A_19 = vector.load %arg5[%swap3A_17, %swap3A_18] : memref<1x16xf32, #tpu.memory_space<vmem>>, vector<1x16xf32>
    tpu.vector_store %arg5[%swap3A_17, %swap3A_18], %broadcast_in_dim3A {strides = array<i32>} : memref<1x16xf32, #tpu.memory_space<vmem>>, vector<1x16xf32>,
    return
  }
}

module attributes {stable_mosaic.version = 14 : i64} {
  func.func @_tc2_body(%arg0: memref<2x10240x128xf32, #tpu.memory_space<vmem>>, %arg1: memref<2x10240x16xf32, #tpu.memory_space<vmem>>, %arg2: memref<16x128xf32, #tpu.memory_space<vmem>>, %arg3: memref<1x128xf32, #tpu.memory_space<vmem>>, %arg4: memref<128x1xf32, #tpu.memory_space<vmem>>, %arg5: memref<10240x1xf32, #tpu.memory_space<vmem>>, %arg6: memref<1x1xf32, #tpu.memory_space<vmem>>, %arg7: memref<1x1xf32, #tpu.memory_space<vmem>>) attributes {dimension_semantics = [], scalar_prefetch = 0 : i64, scratch_operands = 0 : i64, tpu.core_type = #tpu.core_type<tc>} {
    %get3A = arith.constant 0 : index
    %get3A_0 = arith.constant 0 : index
    %get3A_1 = arith.constant 0 : index
    %get3A_2 = vector.load %arg0[%get3A, %get3A_0, %get3A_1] : memref<2x10240x128xf32, #tpu.memory_space<vmem>>, vector<1x10240x128xf32>
    %get3A_3 = vector.shape_cast %get3A_2 : vector<1x10240x128xf32> to vector<10240x128xf32>
    %get3A_4 = arith.constant 1 : index
    %get3A_5 = arith.constant 0 : index
    %get3A_6 = arith.constant 0 : index
    %get3A_7 = vector.load %arg0[%get3A_4, %get3A_5, %get3A_6] : memref<2x10240x128xf32, #tpu.memory_space<vmem>>, vector<1x10240x128xf32>
    %get3A_8 = vector.shape_cast %get3A_7 : vector<1x10240x128xf32> to vector<10240x128xf32>
    %add3A = arith.addf %get3A_3, %get3A_8 : vector<10240x128xf32>
    %get3A_9 = arith.constant 0 : index
    %get3A_10 = arith.constant 0 : index
    %get3A_11 = arith.constant 0 : index
    %get3A_12 = vector.load %arg1[%get3A_9, %get3A_10, %get3A_11] : memref<2x10240x16xf32, #tpu.memory_space<vmem>>, vector<1x10240x16xf32>
    %get3A_13 = vector.shape_cast %get3A_12 : vector<1x10240x16xf32> to vector<10240x16xf32>
    %get3A_14 = arith.constant 1 : index
    %get3A_15 = arith.constant 0 : index
    %get3A_16 = arith.constant 0 : index
    %get3A_17 = vector.load %arg1[%get3A_14, %get3A_15, %get3A_16] : memref<2x10240x16xf32, #tpu.memory_space<vmem>>, vector<1x10240x16xf32>
    %get3A_18 = vector.shape_cast %get3A_17 : vector<1x10240x16xf32> to vector<10240x16xf32>
    %add3A_19 = arith.addf %get3A_13, %get3A_18 : vector<10240x16xf32>
    %get3A_20 = arith.constant 0 : index
    %get3A_21 = arith.constant 0 : index
    %get3A_22 = vector.load %arg2[%get3A_20, %get3A_21] : memref<16x128xf32, #tpu.memory_space<vmem>>, vector<16x128xf32>
    %dot_general3A = arith.constant dense<0.000000e+00> : vector<10240x128xf32>
    %dot_general3A_23 = tpu.matmul %add3A_19, %get3A_22, %dot_general3A {dimension_numbers = #tpu.dot_dimension_numbers<[1], [0], [0], [1], [0, 0, 1, 1], [], []>, transpose_lhs_hint = false} : vector<10240x16xf32>, vector<16x128xf32>, vector<10240x128xf32> -> vector<10240x128xf32>
    %add3A_24 = arith.constant 1.000000e-16 : f32
    %add3A_25 = vector.broadcast %add3A_24 : f32 to vector<10240x128xf32>
    %add3A_26 = arith.addf %dot_general3A_23, %add3A_25 : vector<10240x128xf32>
    %div3A = arith.divf %add3A, %add3A_26 : vector<10240x128xf32>
    %get3A_27 = arith.constant 0 : index
    %get3A_28 = arith.constant 0 : index
    %get3A_29 = vector.load %arg3[%get3A_27, %get3A_28] : memref<1x128xf32, #tpu.memory_space<vmem>>, vector<1x128xf32>
    %add3A_30 = vector.broadcast %get3A_29 : vector<1x128xf32> to vector<10240x128xf32>
    %add3A_31 = arith.addf %div3A, %add3A_30 : vector<10240x128xf32>
    %max3A = arith.constant 0.000000e+00 : f32
    %max3A_32 = vector.broadcast %max3A : f32 to vector<10240x128xf32>
    %max3A_33 = arith.maximumf %add3A_31, %max3A_32 : vector<10240x128xf32>
    %iota3A = tpu.iota {dimensions = array<i32: 0>} : vector<10240x128xi32>
    %lt3A = arith.constant 10000 : i32
    %lt3A_34 = vector.broadcast %lt3A : i32 to vector<10240x128xi32>
    %lt3A_35 = arith.cmpi slt, %iota3A, %lt3A_34 : vector<10240x128xi32>
    %jit3A = arith.constant 0.000000e+00 : f32
    %broadcast_in_dim3A = vector.broadcast %jit3A : f32 to vector<10240x128xf32>
    %select_n3A = arith.select %lt3A_35, %max3A_33, %broadcast_in_dim3A : vector<10240x128xi1>, vector<10240x128xf32>
    %get3A_36 = arith.constant 0 : index
    %get3A_37 = arith.constant 0 : index
    %get3A_38 = vector.load %arg4[%get3A_36, %get3A_37] : memref<128x1xf32, #tpu.memory_space<vmem>>, vector<128x1xf32>
    %dot_general3A_39 = arith.constant dense<0.000000e+00> : vector<10240x1xf32>
    %dot_general3A_40 = tpu.matmul %select_n3A, %get3A_38, %dot_general3A_39 {dimension_numbers = #tpu.dot_dimension_numbers<[1], [0], [0], [1], [0, 0, 1, 1], [], []>, transpose_lhs_hint = false} : vector<10240x128xf32>, vector<128x1xf32>, vector<10240x1xf32> -> vector<10240x1xf32>
    %swap3A = arith.constant 0 : index
    %swap3A_41 = arith.constant 0 : index
    %swap3A_42 = vector.load %arg5[%swap3A, %swap3A_41] : memref<10240x1xf32, #tpu.memory_space<vmem>>, vector<10240x1xf32>
    tpu.vector_store %arg5[%swap3A, %swap3A_41], %dot_general3A_40 {strides = array<i32>} : memref<10240x1xf32, #tpu.memory_space<vmem>>, vector<10240x1xf32>,
    %iota3A_43 = tpu.iota {dimensions = array<i32: 0>} : vector<10240x1xi32>
    %lt3A_44 = arith.constant 10000 : i32
    %lt3A_45 = vector.broadcast %lt3A_44 : i32 to vector<10240x1xi32>
    %lt3A_46 = arith.cmpi slt, %iota3A_43, %lt3A_45 : vector<10240x1xi32>
    %jit3A_47 = arith.constant 0xFF800000 : f32
    %broadcast_in_dim3A_48 = vector.broadcast %jit3A_47 : f32 to vector<10240x1xf32>
    %select_n3A_49 = arith.select %lt3A_46, %dot_general3A_40, %broadcast_in_dim3A_48 : vector<10240x1xi1>, vector<10240x1xf32>
    %reduce_max3A = arith.constant dense<0xFF800000> : vector<1xf32>
    %reduce_max3A_50 = vector.multi_reduction <maximumf>, %select_n3A_49, %reduce_max3A [0] : vector<10240x1xf32> to vector<1xf32>
    %broadcast_in_dim3A_51 = vector.shape_cast %reduce_max3A_50 : vector<1xf32> to vector<1x1xf32>
    %swap3A_52 = arith.constant 0 : index
    %swap3A_53 = arith.constant 0 : index
    %swap3A_54 = vector.load %arg6[%swap3A_52, %swap3A_53] : memref<1x1xf32, #tpu.memory_space<vmem>>, vector<1x1xf32>
    tpu.vector_store %arg6[%swap3A_52, %swap3A_53], %broadcast_in_dim3A_51 {strides = array<i32>} : memref<1x1xf32, #tpu.memory_space<vmem>>, vector<1x1xf32>,
    %lt3A_55 = arith.constant 10000 : i32
    %lt3A_56 = vector.broadcast %lt3A_55 : i32 to vector<10240x1xi32>
    %lt3A_57 = arith.cmpi slt, %iota3A_43, %lt3A_56 : vector<10240x1xi32>
    %jit3A_58 = arith.constant 0x7F800000 : f32
    %broadcast_in_dim3A_59 = vector.broadcast %jit3A_58 : f32 to vector<10240x1xf32>
    %select_n3A_60 = arith.select %lt3A_57, %dot_general3A_40, %broadcast_in_dim3A_59 : vector<10240x1xi1>, vector<10240x1xf32>
    %reduce_min3A = arith.constant dense<0x7F800000> : vector<1xf32>
    %reduce_min3A_61 = vector.multi_reduction <minimumf>, %select_n3A_60, %reduce_min3A [0] : vector<10240x1xf32> to vector<1xf32>
    %broadcast_in_dim3A_62 = vector.shape_cast %reduce_min3A_61 : vector<1xf32> to vector<1x1xf32>
    %swap3A_63 = arith.constant 0 : index
    %swap3A_64 = arith.constant 0 : index
    %swap3A_65 = vector.load %arg7[%swap3A_63, %swap3A_64] : memref<1x1xf32, #tpu.memory_space<vmem>>, vector<1x1xf32>
    tpu.vector_store %arg7[%swap3A_63, %swap3A_64], %broadcast_in_dim3A_62 {strides = array<i32>} : memref<1x1xf32, #tpu.memory_space<vmem>>, vector<1x1xf32>,
    return
  }
}

module attributes {stable_mosaic.version = 14 : i64} {
  func.func @_tc3_body(%arg0: memref<2x80x128xf32, #tpu.memory_space<vmem>>, %arg1: memref<2x80x128xf32, #tpu.memory_space<vmem>>, %arg2: memref<1x1xf32, #tpu.memory_space<vmem>>, %arg3: memref<80x128xf32, #tpu.memory_space<vmem>>) attributes {dimension_semantics = [], scalar_prefetch = 0 : i64, scratch_operands = 0 : i64, tpu.core_type = #tpu.core_type<tc>} {
    %get3A = arith.constant 0 : index
    %get3A_0 = arith.constant 0 : index
    %get3A_1 = arith.constant 0 : index
    %get3A_2 = vector.load %arg0[%get3A, %get3A_0, %get3A_1] : memref<2x80x128xf32, #tpu.memory_space<vmem>>, vector<1x80x128xf32>
    %get3A_3 = vector.shape_cast %get3A_2 : vector<1x80x128xf32> to vector<80x128xf32>
    %get3A_4 = arith.constant 1 : index
    %get3A_5 = arith.constant 0 : index
    %get3A_6 = arith.constant 0 : index
    %get3A_7 = vector.load %arg0[%get3A_4, %get3A_5, %get3A_6] : memref<2x80x128xf32, #tpu.memory_space<vmem>>, vector<1x80x128xf32>
    %get3A_8 = vector.shape_cast %get3A_7 : vector<1x80x128xf32> to vector<80x128xf32>
    %add3A = arith.addf %get3A_3, %get3A_8 : vector<80x128xf32>
    %get3A_9 = arith.constant 0 : index
    %get3A_10 = arith.constant 0 : index
    %get3A_11 = arith.constant 0 : index
    %get3A_12 = vector.load %arg1[%get3A_9, %get3A_10, %get3A_11] : memref<2x80x128xf32, #tpu.memory_space<vmem>>, vector<1x80x128xf32>
    %get3A_13 = vector.shape_cast %get3A_12 : vector<1x80x128xf32> to vector<80x128xf32>
    %get3A_14 = arith.constant 1 : index
    %get3A_15 = arith.constant 0 : index
    %get3A_16 = arith.constant 0 : index
    %get3A_17 = vector.load %arg1[%get3A_14, %get3A_15, %get3A_16] : memref<2x80x128xf32, #tpu.memory_space<vmem>>, vector<1x80x128xf32>
    %get3A_18 = vector.shape_cast %get3A_17 : vector<1x80x128xf32> to vector<80x128xf32>
    %add3A_19 = arith.addf %get3A_13, %get3A_18 : vector<80x128xf32>
    %add3A_20 = arith.constant 1.000000e-16 : f32
    %add3A_21 = vector.broadcast %add3A_20 : f32 to vector<80x128xf32>
    %add3A_22 = arith.addf %add3A_19, %add3A_21 : vector<80x128xf32>
    %div3A = arith.divf %add3A, %add3A_22 : vector<80x128xf32>
    %get3A_23 = arith.constant 0 : index
    %get3A_24 = arith.constant 0 : index
    %get3A_25 = vector.load %arg2[%get3A_23, %get3A_24] : memref<1x1xf32, #tpu.memory_space<vmem>>, vector<1x1xf32>
    %get3A_26 = vector.extract %get3A_25[0, 0] : f32 from vector<1x1xf32>
    %add3A_27 = vector.broadcast %get3A_26 : f32 to vector<80x128xf32>
    %add3A_28 = arith.addf %div3A, %add3A_27 : vector<80x128xf32>
    %swap3A = arith.constant 0 : index
    %swap3A_29 = arith.constant 0 : index
    %swap3A_30 = vector.load %arg3[%swap3A, %swap3A_29] : memref<80x128xf32, #tpu.memory_space<vmem>>, vector<80x128xf32>
    tpu.vector_store %arg3[%swap3A, %swap3A_29], %add3A_28 {strides = array<i32>} : memref<80x128xf32, #tpu.memory_space<vmem>>, vector<80x128xf32>,
    return
  }
}

</mosaic_0001>

<sc_bundles>
// kernel: kernel.10.cloned.1.call-start
scs
__scs_entry_jumppad:
0x0: {  	(pc) =	sbr.rel $0x88, $3  }
0x1: {  	(tag) =	ssettag $0x0;
	lr =	simm.s32 $0x1  }
0x2: {  	[smem:$0x3F97] =	sst lr;
	_ =	strace $0xD0000000  }
0x3: {  	_ = 	snop  }
0x4: {  	_ = 	snop  }
0x5: {  	_ = 	snop  }
0x6: {  	_ = 	snop  }
0x7: {  	_ = 	snop  }
__scs_overlays_trampoline_lowered:
0x8: {  	[smem:$0x3FA6] =	sst s0  }
0x9: {  	[smem:$0x3FA7] =	sst s1  }
0xa: {  	[smem:$0x3FA8] =	sst s2  }
0xb: {  	[smem:$0x3FA9] =	sst s3  }
0xc: {  	[smem:$0x3FAA] =	sst s4  }
0xd: {  	[smem:$0x3FAB] =	sst s5  }
0xe: {  	[smem:$0x3FAC] =	sst s6  }
0xf: {  	[smem:$0x3FAD] =	sst s7  }
0x10: {  	[smem:$0x3FAE] =	sst s8  }
0x11: {  	[smem:$0x3FAF] =	sst s9;
	s0 =	simm.s32 @!p0 $0x0  }
0x12: {  	s1 =	sld [smem:$0x3F95];
	s0 =	simm.s32 @p0 $0x1  }
0x13: {  	[smem:$0x3FB0] =	sst s0;
	s0 =	simm.s32 @!p1 $0x0  }
0x14: {  	s2 =	sld [smem:$0x3F94];
	s0 =	simm.s32 @p1 $0x1  }
0x15: {  	[smem:$0x3FB1] =	sst s0;
	s0 =	simm.s32 @!p2 $0x0  }
0x16: {  	s3 =	sld [smem:$0x3FDB];
	s0 =	simm.s32 @p2 $0x1  }
0x17: {  	s4 =	simm.s32 $0x1BF5;
	[smem:$0x3FB3] =	sst s0  }
0x18: {  	s0 =	sld [smem:$0x3F96];
	_ =	swait.ge [sflag:s4], $0x0  }
0x19: {  	s7 =	sld [smem:$0x3F97]  }
0x1a: {  	s8 =	sadd.s32 $0xFFFFE003, lr  }
0x1b: {  	s9 =	sadd.s32 $0xFFFFFEF7, lr;
	s5 =	simm.s32 $0xFFFFFFFF;
	p2 =	slt.u32 s8, $0xFFFFF086  }
0x1c: {  	p1 =	slt.u32 s9, $0xF7A;
	s5 =	simm.s32 @!p2 $0x0  }
0x1d: {  	s5 =	simm.s32 @p1 $0x1;
	p0 =	seq.s32 s7, s2  }
0x1e: {  	s7 =	smul.u32 @!p0 $0xF7A, s2;
	p2 =	seq.s32 @!p0 s5, $0x0  }
0x1f: {  	s9 =	smul.u32 $0xF7A, s1;
	s8 =	simm.s32 @!p0 $0x1BF5;
	p2 =	por !p2, p0  }
0x20: {  	[sflag:s8] =	ssyncset.s32 @!p0 $0xFFFFF086;
	s6 =	sadd.s32 @!p0 s3, s7;
	s7 =	simm.s32 @!p0 $0x108  }
0x21: {  	s3 =	sadd.s32 s3, s9;
	s6 =	sadd.s32 @!p0 $0x88, s6;
	s7 =	simm.s32 @p2 $0x1082  }
0x22: {  	[simem:s7], [sflag:s8] =	dma.local @!p0 [hbm:s6], $0xF7A  }
0x23: {  	s9 =	sor.u32 $0xD0000000, s2;
	s6 =	simm.s32 $0x108;
	_ =	swait.ge @!p0 [sflag:s8], $0x0  }
0x24: {  	s3 =	sadd.s32 $0x88, s3;
	s6 =	simm.s32 @!p1 $0x1082;
	[sflag:s4] =	ssyncset.s32 $0xFFFFF086  }
0x25: {  	[simem:s6], [sflag:s4] =	dma.local [hbm:s3], $0xF7A  }
0x26: {  	[smem:$0x3F97] =	sst s1;
	(tag) =	ssettag s2;
	_ =	strace s9  }
0x27: {  	s1 =	sld [smem:$0x3FA7]  }
0x28: {  	s2 =	sld [smem:$0x3FA8]  }
0x29: {  	s4 =	sld [smem:$0x3FAA]  }
0x2a: {  	p0 =	seq.s32 s5, $0x0;
	s5 =	sld [smem:$0x3FAB]  }
0x2b: {  	s6 =	sld [smem:$0x3FAC]  }
0x2c: {  	s7 =	sld [smem:$0x3FAD]  }
0x2d: {  	s3 =	simm.s32 $0x108;
	s8 =	sld [smem:$0x3FAE]  }
0x2e: {  	s3 =	simm.s32 @!p0 $0x1082;
	s9 =	sld [smem:$0x3FAF]  }
0x2f: {  	lr =	sadd.s32 s0, s3;
	s0 =	sld [smem:$0x3FA6]  }
0x30: {  	s3 =	sld [smem:$0x3FA9]  }
0x31: {  	[smem:$0x3FB2] =	sst s10  }
0x32: {  	s10 =	sld [smem:$0x3FB0];
	_ =	sdelay $0x3  }
0x33: {  	p0 =	seq.s32 s10, $0x1;
	s10 =	sld [smem:$0x3FB2];
	_ =	sdelay $0x3  }
0x34: {  	[smem:$0x3FB2] =	sst s10  }
0x35: {  	s10 =	sld [smem:$0x3FB1];
	_ =	sdelay $0x3  }
0x36: {  	p1 =	seq.s32 s10, $0x1;
	s10 =	sld [smem:$0x3FB2];
	_ =	sdelay $0x3  }
0x37: {  	[smem:$0x3FB2] =	sst s10  }
0x38: {  	s10 =	sld [smem:$0x3FB3]  }
0x39: {  	_ = 	snop;
	(pc) =	sbr.ind lr, $3  }
0x3a: {  	_ = 	snop  }
0x3b: {  	_ = 	snop  }
0x3c: {  	p2 =	seq.s32 s10, $0x1;
	s10 =	sld [smem:$0x3FB2]  }
0x3d: {  	_ =	shalt  }
0x3e: {  	_ =	shalt  }
0x3f: {  	_ =	shalt  }
0x40: {  	_ =	shalt  }
0x41: {  	_ =	shalt  }
0x42: {  	_ =	shalt  }
0x43: {  	_ =	shalt  }
0x44: {  	_ =	shalt  }
0x45: {  	_ =	shalt  }
0x46: {  	_ =	shalt  }
0x47: {  	_ =	shalt  }
0x48: {  	_ =	shalt  }
0x49: {  	_ =	shalt  }
0x4a: {  	_ =	shalt  }
0x4b: {  	_ =	shalt  }
0x4c: {  	_ =	shalt  }
0x4d: {  	_ =	shalt  }
0x4e: {  	_ =	shalt  }
0x4f: {  	_ =	shalt  }
0x50: {  	_ =	shalt  }
0x51: {  	_ =	shalt  }
0x52: {  	_ =	shalt  }
0x53: {  	_ =	shalt  }
0x54: {  	_ =	shalt  }
0x55: {  	_ =	shalt  }
0x56: {  	_ =	shalt  }
0x57: {  	_ =	shalt  }
0x58: {  	_ =	shalt  }
0x59: {  	_ =	shalt  }
0x5a: {  	_ =	shalt  }
0x5b: {  	_ =	shalt  }
0x5c: {  	_ =	shalt  }
0x5d: {  	_ =	shalt  }
0x5e: {  	_ =	shalt  }
0x5f: {  	_ =	shalt  }
0x60: {  	_ =	shalt  }
0x61: {  	_ =	shalt  }
0x62: {  	_ =	shalt  }
0x63: {  	_ =	shalt  }
0x64: {  	_ =	shalt  }
0x65: {  	_ =	shalt  }
0x66: {  	_ =	shalt  }
0x67: {  	_ =	shalt  }
0x68: {  	_ =	shalt  }
0x69: {  	_ =	shalt  }
0x6a: {  	_ =	shalt  }
0x6b: {  	_ =	shalt  }
0x6c: {  	_ =	shalt  }
0x6d: {  	_ =	shalt  }
0x6e: {  	_ =	shalt  }
0x6f: {  	_ =	shalt  }
0x70: {  	_ =	shalt  }
0x71: {  	_ =	shalt  }
0x72: {  	_ =	shalt  }
0x73: {  	_ =	shalt  }
0x74: {  	_ =	shalt  }
0x75: {  	_ =	shalt  }
0x76: {  	_ =	shalt  }
0x77: {  	_ =	shalt  }
0x78: {  	_ =	shalt  }
0x79: {  	_ =	shalt  }
0x7a: {  	_ =	shalt  }
0x7b: {  	_ =	shalt  }
0x7c: {  	_ =	shalt  }
0x7d: {  	_ =	shalt  }
0x7e: {  	_ =	shalt  }
0x7f: {  	_ =	shalt  }
0x80: {  	_ =	shalt  }
0x81: {  	_ =	shalt  }
0x82: {  	_ =	shalt  }
0x83: {  	_ =	shalt  }
0x84: {  	_ =	shalt  }
0x85: {  	_ =	shalt  }
0x86: {  	_ =	shalt  }
0x87: {  	_ =	shalt  }
.Lfunc_end0:
.L_simem_size_0:
called_computation.1_lowered:
.L_overlay_start_0:
0x88: {  	s2 =	sld [smem:$0x3FD9]  }
0x89: {  	s3 =	sld [smem:$0x3FFE];
	_ =	sdelay $0x1  }
0x8a: {  	s1 =	srdreg.scid  }
0x8b: {  	s0 =	sand.u32 $0x1, s1  }
0x8c: {  	s16 =	sshll.u32 s0, $0xA;
	s2 =	sadd.s32 s3, s2  }
0x8d: {  	s2 =	sadd.s32 s2, s16  }
0x8e: {  	[smem:$0x3FBE] =	sst s2  }
0x8f: {  	_ = 	snop  }
0x90: {  	(tm) =	ssettm $0x1  }
0x91: {  	s17 =	sld [smem:$0x3FFB];
	_ =	sdelay $0x3  }
0x92: {  	_ =	strace s17  }
0x93: {  	s2 =	sld [smem:$0x3FFC];
	_ =	sdelay $0x3  }
0x94: {  	_ =	strace s2  }
0x95: {  	s2 =	sld [smem:$0x3FFD];
	_ =	sdelay $0x3  }
0x96: {  	_ =	strace s2  }
0x97: {  	_ =	strace $0x8FFFFFFF  }
0x98: {  	s18 =	sld [smem:$0x3FDB];
	_ =	sdelay $0x1  }
0x99: {  	s19 =	simm.s32 $_scs_section_size  }
0x9a: {  	s4 =	simm.s32 $_size__tile_overlayer_lowered;
	s5 =	simm.s32 $_tile_overlayer_lowered  }
0x9b: {  	s22 =	simm.s32 $0x1BFF;
	s21 =	sshll.u32 s5, $0x1;
	s2 =	sadd.s32 s19, s18  }
0x9c: {  	s6 =	simm.s32 $0x0;
	s20 =	sshll.u32 s4, $0x1;
	s4 =	sadd.s32 s21, s2  }
0x9d: {  	[timem:s6], [sflag:s22] =	dma.local [hbm:s4], s20  }
0x9e: {  	_ =	swait.ge [sflag:s22], s20  }
0x9f: {  	s3 =	ssub.s32 $0x0, s20;
	[sflag:s22] =	ssyncset.done $0x0  }
0xa0: {  	[sflag:s22] =	ssyncadd.s32 s3;
	_ =	sdelay $0x1  }
0xa1: {  	s23 =	simm.s32 $0x1B8B  }
0xa2: {  	_ =	swait.ge [sflag:s23], $0x1  }
0xa3: {  	[sflag:s23] =	ssyncset.done $0x0  }
0xa4: {  	s25 =	simm.s32 $0x1B8E;
	s24 =	sld [smem:$0x3FFE];
	[sflag:s23] =	ssyncadd.s32 $0xFFFFFFFF  }
0xa5: {  	s26 =	simm.s32 $execute0_lowered;
	[smem:$0x3FD2] =	sst s25  }
0xa6: {  	s4 =	sshll.u32 s26, $0x1;
	_ =	strace $0x80000049;
	[dreg:$0x1] =	wrdreg $0xFFFFFFFF  }
0xa7: {  	s28 =	simm.s32 $_size_execute0_lowered;
	s2 =	sadd.s32 s2, s4;
	[dreg:$0x0] =	wrdreg $0x0  }
0xa8: {  	s4 =	sshll.u32 s28, $0x1;
	[dreg:$0x2] =	wrdreg s2  }
0xa9: {  	[dreg:$0x3] =	wrdreg s4  }
0xaa: {  	[dreg:$0x4] =	wrdreg $0xC0  }
0xab: {  	_ =	task [dreg:s6], $0x5FFFF  }
0xac: {  	[dreg:$0x1] =	wrdreg $0xFFFFFFFF  }
0xad: {  	[dreg:$0x0] =	wrdreg $0x60  }
0xae: {  	[dreg:$0x2] =	wrdreg s24  }
0xaf: {  	[dreg:$0x3] =	wrdreg $0x79800  }
0xb0: {  	[dreg:$0x4] =	wrdreg $0x7C000  }
0xb1: {  	[dreg:$0x5] =	wrdreg $0x9  }
0xb2: {  	_ =	task.clear_ibuf [dreg:s6], $0x6FFFF;
	_ =	strace $0x90000049  }
0xb3: {  	s29 =	simm.s32 $0x9;
	_ =	strace $0x8000004B  }
0xb4: {  	_ =	swait.ge [sflag:s29], $0x1  }
0xb5: {  	[sflag:s29] =	ssyncadd.s32 $0xFFFFFFFF  }
0xb6: {  	_ =	strace $0x9000004B  }
0xb7: {  	_ =	sfence  }
0xb8: {  	s30 =	sld [smem:$0x0];
	_ =	sdelay $0x2  }
0xb9: {  	s31 =	sshll.u32 s1, $0xD;
	s1 =	sshrl.u32 s1, $0x2  }
0xba: {  	s3 =	sand.u32 $0x4000, s31;
	s1 =	sadd.s32 s1, s30  }
0xbb: {  	s0 =	sor.u32 s3, s0;
	s1 =	sshll.u32 s1, $0x11  }
0xbc: {  	s0 =	sor.u32 s1, s0  }
0xbd: {  	s0 =	sadd.s32 $0x8F2B, s0  }
0xbe: {  	[sflag:s0] =	ssyncadd.remote.s32 $0x1  }
0xbf: {  	_ =	sfence.sel $0xFFFF  }
0xc0: {  	[dreg:$0x0] =	wrdreg $0xFFFFFFFF;
	(pc) =	sbr.abs _section_cstart, $3  }
0xc1: {  	[dreg:$0x1] =	wrdreg $0xFFFFFFFF  }
0xc2: {  	_ =	task.clear_ibuf [dreg:s6], $0x2FFFF;
	_ =	strace $0x9FFFFFFF  }
0xc3: {  	(tm) =	ssettm $0x7FFFFFFF  }
tec
execute0_lowered:
.L_overlay_start_1:
0x0: {  	(tag) =	ssettag $0x1  }
0x1: {  	s7 =	rddreg [dreg:$0x0];
	s1 =	srdreg.scid  }
0x2: {  	s0 =	stileid.u32;
	s2 =	rddreg [dreg:$0x1]  }
0x3: {  	s3 =	rddreg [dreg:$0x2];
	s4 =	simm.s32 $0x0;
	s17 =	simm.s32 $0x5000  }
0x4: {  	s18 =	simm.s32 $0x7800;
	s19 =	simm.s32 $0x2800;
	s20 =	simm.s32 $0x80  }
0x5: {  	s21 =	simm.s32 $0x7880;
	s22 =	simm.s32 $0x7900;
	s23 =	simm.s32 $0x20  }
0x6: {  	s24 =	simm.s32 $0x10;
	s25 =	simm.s32 $0x0;
	s8 =	sand.u32 $0x1, s1  }
0x7: {  	s28 =	sshll.u32 s0, $0x1;
	s1 =	rddreg [dreg:$0x3];
	s9 =	smul.u32 $0x280, s0  }
0x8: {  	[smem:$0x7FF] =	sst s4;
	s11 =	smul.u32 $0x500, s0;
	s6 =	sadd.s32 $0x2000, s7  }
0x9: {  	s31 =	sshll.u32 s0, $0x6;
	s5 =	sor.u32 s8, s28;
	_ =	strace $0x8000004A  }
0xa: {  	s12 =	sshll.u32 s8, $0x7;
	s8 =	ssub.s32 $0x2, s8;
	s5 =	smul.u32 $0x500, s5  }
0xb: {  	s13 =	sshrl.u32 s9, $0x3;
	s11 =	sor.u32 s12, s11;
	s30 =	sshrl.u32 s8, $0x1  }
0xc: {  	s15 =	sadd.s32 s9, s2;
	s16 =	sadd.s32 s9, s3;
	s29 =	sadd.s32 s13, s7  }
0xd: {  	s11 =	sshrl.u32 s11, $0x3;
	s13 =	ssub.s32 s8, s30;
	s8 =	sor.u32 $0x1C01, s31  }
0xe: {  	s16 =	sshrl.u32 s16, $0x3;
	s10 =	sadd.s32 s5, s7;
	s5 =	sadd.s32 $0x1A00, s7  }
0xf: {  	s14 =	sadd.s32 s11, s7;
	s7 =	sadd.s32 $0x2200, s29;
	s13 =	smax.u32 s13, $0x1  }
0x10: {  	s9 =	sadd.s32 $0x4CA00, s10;
	s10 =	sadd.s32 $0x42A00, s10;
	s11 =	sadd.s32 $0x2800, s14  }
0x11: {  	v0 =	vimm.s32 $0x0;
	v1 =	vimm.s32 $0x1;
	v2 =	vimm.s32 $0x2;
	s12 =	sadd.s32 $0x3200, s14;
	s14 =	sshrl.u32 s15, $0x3;
	s15 =	simm.s32 $0x1  }
.LBB2_1:
0x12: {  	[spmem:s14], [sflag:s8] =	dma.local [hbm:s7], $0x50  }
0x13: {  	_ =	swait.ge [sflag:s15], $0x50  }
0x14: {  	[sflag:s15] =	ssyncset.done $0x0  }
0x15: {  	[sflag:s15] =	ssyncadd.s32 $0xFFFFFFB0  }
0x16: {  	[spmem:s16], [sflag:s8] =	dma.local [hbm:s7], $0x50  }
0x17: {  	_ =	swait.ge [sflag:s15], $0x50  }
0x18: {  	[sflag:s15] =	ssyncset.done $0x0  }
0x19: {  	[sflag:s15] =	ssyncadd.s32 $0xFFFFFFB0  }
0x1a: {  	[tilespmem:s17], [sflag:$0x1] =	stream.linear.gather [hbm4b:s5+s4], $0x2800, $0x38;
	[tilespmem:$0x7E80] =	vst v63  }
0x1b: {  	_ =	swait.ge [sflag:s15], $0x2800  }
0x1c: {  	[sflag:s15] =	ssyncset.done $0x0  }
0x1d: {  	[sflag:s15] =	ssyncadd.s32 $0xFFFFD800  }
0x1e: {  	[tilespmem:s18], [sflag:$0x1] =	stream.linear.gather [hbm4b:s6+s4], $0x80, $0x38;
	[tilespmem:$0x7E80] =	vst v63  }
0x1f: {  	_ =	swait.ge [sflag:s15], $0x80  }
0x20: {  	[sflag:s15] =	ssyncset.done $0x0  }
0x21: {  	[sflag:s15] =	ssyncadd.s32 $0xFFFFFF80  }
0x22: {  	[tilespmem:s4], [sflag:$0x1] =	stream.linear.gather [hbm4b:s9+s4], $0x2800, $0x38;
	[tilespmem:$0x7E80] =	vst v63  }
0x23: {  	_ =	swait.ge [sflag:s15], $0x2800  }
0x24: {  	[sflag:s15] =	ssyncset.done $0x0  }
0x25: {  	[sflag:s15] =	ssyncadd.s32 $0xFFFFD800  }
0x26: {  	[tilespmem:s19], [sflag:$0x1] =	stream.linear.gather [hbm4b:s10+s4], $0x2800, $0x38;
	[tilespmem:$0x7E80] =	vst v63  }
0x27: {  	_ =	swait.ge [sflag:s15], $0x2800  }
0x28: {  	[sflag:s15] =	ssyncset.done $0x0  }
0x29: {  	[sflag:s15] =	ssyncadd.s32 $0xFFFFD800  }
0x2a: {  	[bflag:$0x0] =	sbarrier.arrive $0xFFFF  }
0x2b: {  	v5 =	vld [tilespmem:$0x7800];
	_ =	sdelay $0x4  }
0x2c: {  	v3 =	vperm.xlane v5, v0  }
0x2d: {  	s26 =	simm.s32 $0x0;
	v4 =	vperm.xlane v5, v1;
	v5 =	vperm.xlane v5, v2  }
.LBB2_2:
0x2e: {  	s28 =	sshra.s32 s26, $0x2  }
0x2f: {  	v6 =	vld [tilespmem:s28+$0x0]  }
0x30: {  	v7 =	vld [tilespmem:s28+$0x2800];
	_ =	sdelay $0x6  }
0x31: {  	v6 =	vld.idx.msk [tilespmem:v6+s17+$0x0], $0xffff  }
0x32: {  	v7 =	vld.idx.msk [tilespmem:v7+s17+$0x0], $0xffff;
	_ =	sdelay $0x4  }
0x33: {  	v8 =	vmul.f32 v6, v3;
	v7 =	vmul.f32 v7, v4;
	_ =	sdelay $0x1  }
0x34: {  	v7 =	vadd.f32 v7, v8;
	_ =	sdelay $0x1  }
0x35: {  	v8 =	vmul.f32 $2.000000030e-01, v7;
	_ =	sdelay $0x1  }
0x36: {  	v7 =	vmax.f32 v7, v8  }
0x37: {  	v7 =	vsub.f32 v7, v5;
	_ =	sdelay $0x1  }
0x38: {  	v7 =	vmul.f32 $1.442695020e+00, v7;
	_ =	sdelay $0x1  }
0x39: {  	(erf) = vpow2.f32 v7;
	_ =	sdelay $0x8  }
0x3a: {  	v7 =	vpop (erf)  }
0x3b: {  	v6 =	vmul.f32 v7, v6  }
0x3c: {  	[tilespmem:$0x7880] =	vst v7  }
0x3d: {  	[tilespmem:$0x7900] =	vst v6  }
0x3e: {  	v6 =	vld [tilespmem:s28+$0x10]  }
0x3f: {  	v7 =	vld [tilespmem:s28+$0x2810];
	_ =	sdelay $0x6  }
0x40: {  	v6 =	vld.idx.msk [tilespmem:v6+s17+$0x0], $0xffff  }
0x41: {  	v7 =	vld.idx.msk [tilespmem:v7+s17+$0x0], $0xffff;
	_ =	sdelay $0x4  }
0x42: {  	v57 =	vmul.f32 v6, v3;
	v7 =	vmul.f32 v7, v4;
	_ =	sdelay $0x1  }
0x43: {  	v7 =	vadd.f32 v7, v57;
	_ =	sdelay $0x1  }
0x44: {  	v8 =	vmul.f32 $2.000000030e-01, v7;
	_ =	sdelay $0x1  }
0x45: {  	v7 =	vmax.f32 v7, v8  }
0x46: {  	v7 =	vsub.f32 v7, v5;
	_ =	sdelay $0x1  }
0x47: {  	v7 =	vmul.f32 $1.442695020e+00, v7;
	_ =	sdelay $0x1  }
0x48: {  	(erf) = vpow2.f32 v7;
	_ =	sdelay $0x8  }
0x49: {  	v7 =	vpop (erf)  }
0x4a: {  	v6 =	vmul.f32 v7, v6  }
0x4b: {  	[tilespmem:$0x7890] =	vst v7  }
0x4c: {  	[tilespmem:$0x7910] =	vst v6  }
0x4d: {  	v6 =	vld [tilespmem:s28+$0x20]  }
0x4e: {  	v7 =	vld [tilespmem:s28+$0x2820];
	_ =	sdelay $0x6  }
0x4f: {  	v6 =	vld.idx.msk [tilespmem:v6+s17+$0x0], $0xffff  }
0x50: {  	v7 =	vld.idx.msk [tilespmem:v7+s17+$0x0], $0xffff;
	_ =	sdelay $0x4  }
0x51: {  	v58 =	vmul.f32 v6, v3;
	v7 =	vmul.f32 v7, v4;
	_ =	sdelay $0x1  }
0x52: {  	v7 =	vadd.f32 v7, v58;
	_ =	sdelay $0x1  }
0x53: {  	v8 =	vmul.f32 $2.000000030e-01, v7;
	_ =	sdelay $0x1  }
0x54: {  	v7 =	vmax.f32 v7, v8  }
0x55: {  	v7 =	vsub.f32 v7, v5;
	_ =	sdelay $0x1  }
0x56: {  	v7 =	vmul.f32 $1.442695020e+00, v7;
	_ =	sdelay $0x1  }
0x57: {  	(erf) = vpow2.f32 v7;
	_ =	sdelay $0x8  }
0x58: {  	v7 =	vpop (erf)  }
0x59: {  	v6 =	vmul.f32 v7, v6  }
0x5a: {  	[tilespmem:$0x78A0] =	vst v7  }
0x5b: {  	[tilespmem:$0x7920] =	vst v6  }
0x5c: {  	v6 =	vld [tilespmem:s28+$0x30]  }
0x5d: {  	v7 =	vld [tilespmem:s28+$0x2830];
	_ =	sdelay $0x6  }
0x5e: {  	v6 =	vld.idx.msk [tilespmem:v6+s17+$0x0], $0xffff  }
0x5f: {  	v7 =	vld.idx.msk [tilespmem:v7+s17+$0x0], $0xffff;
	_ =	sdelay $0x4  }
0x60: {  	v59 =	vmul.f32 v6, v3;
	v7 =	vmul.f32 v7, v4;
	_ =	sdelay $0x1  }
0x61: {  	v7 =	vadd.f32 v7, v59;
	_ =	sdelay $0x1  }
0x62: {  	v8 =	vmul.f32 $2.000000030e-01, v7;
	_ =	sdelay $0x1  }
0x63: {  	v7 =	vmax.f32 v7, v8  }
0x64: {  	v7 =	vsub.f32 v7, v5;
	_ =	sdelay $0x1  }
0x65: {  	v7 =	vmul.f32 $1.442695020e+00, v7;
	_ =	sdelay $0x1  }
0x66: {  	(erf) = vpow2.f32 v7;
	_ =	sdelay $0x8  }
0x67: {  	v7 =	vpop (erf)  }
0x68: {  	v6 =	vmul.f32 v7, v6  }
0x69: {  	[tilespmem:$0x78B0] =	vst v7  }
0x6a: {  	[tilespmem:$0x7930] =	vst v6  }
0x6b: {  	v6 =	vld [tilespmem:s28+$0x40]  }
0x6c: {  	v7 =	vld [tilespmem:s28+$0x2840];
	_ =	sdelay $0x6  }
0x6d: {  	v6 =	vld.idx.msk [tilespmem:v6+s17+$0x0], $0xffff  }
0x6e: {  	v7 =	vld.idx.msk [tilespmem:v7+s17+$0x0], $0xffff;
	_ =	sdelay $0x4  }
0x6f: {  	v60 =	vmul.f32 v6, v3;
	v7 =	vmul.f32 v7, v4;
	_ =	sdelay $0x1  }
0x70: {  	v7 =	vadd.f32 v7, v60;
	_ =	sdelay $0x1  }
0x71: {  	v8 =	vmul.f32 $2.000000030e-01, v7;
	_ =	sdelay $0x1  }
0x72: {  	v7 =	vmax.f32 v7, v8  }
0x73: {  	v7 =	vsub.f32 v7, v5;
	_ =	sdelay $0x1  }
0x74: {  	v7 =	vmul.f32 $1.442695020e+00, v7;
	_ =	sdelay $0x1  }
0x75: {  	(erf) = vpow2.f32 v7;
	_ =	sdelay $0x8  }
0x76: {  	v7 =	vpop (erf)  }
0x77: {  	v6 =	vmul.f32 v7, v6  }
0x78: {  	[tilespmem:$0x78C0] =	vst v7  }
0x79: {  	[tilespmem:$0x7940] =	vst v6  }
0x7a: {  	v6 =	vld [tilespmem:s28+$0x50]  }
0x7b: {  	v7 =	vld [tilespmem:s28+$0x2850];
	_ =	sdelay $0x6  }
0x7c: {  	v6 =	vld.idx.msk [tilespmem:v6+s17+$0x0], $0xffff  }
0x7d: {  	v7 =	vld.idx.msk [tilespmem:v7+s17+$0x0], $0xffff;
	_ =	sdelay $0x4  }
0x7e: {  	v61 =	vmul.f32 v6, v3;
	v7 =	vmul.f32 v7, v4;
	_ =	sdelay $0x1  }
0x7f: {  	v7 =	vadd.f32 v7, v61;
	_ =	sdelay $0x1  }
0x80: {  	v8 =	vmul.f32 $2.000000030e-01, v7;
	_ =	sdelay $0x1  }
0x81: {  	v7 =	vmax.f32 v7, v8  }
0x82: {  	v7 =	vsub.f32 v7, v5;
	_ =	sdelay $0x1  }
0x83: {  	v7 =	vmul.f32 $1.442695020e+00, v7;
	_ =	sdelay $0x1  }
0x84: {  	(erf) = vpow2.f32 v7;
	_ =	sdelay $0x8  }
0x85: {  	v7 =	vpop (erf)  }
0x86: {  	v6 =	vmul.f32 v7, v6  }
0x87: {  	[tilespmem:$0x78D0] =	vst v7  }
0x88: {  	[tilespmem:$0x7950] =	vst v6  }
0x89: {  	v6 =	vld [tilespmem:s28+$0x60]  }
0x8a: {  	v7 =	vld [tilespmem:s28+$0x2860];
	_ =	sdelay $0x6  }
0x8b: {  	v6 =	vld.idx.msk [tilespmem:v6+s17+$0x0], $0xffff  }
0x8c: {  	v7 =	vld.idx.msk [tilespmem:v7+s17+$0x0], $0xffff;
	_ =	sdelay $0x4  }
0x8d: {  	v62 =	vmul.f32 v6, v3;
	v7 =	vmul.f32 v7, v4;
	_ =	sdelay $0x1  }
0x8e: {  	v7 =	vadd.f32 v7, v62;
	_ =	sdelay $0x1  }
0x8f: {  	v8 =	vmul.f32 $2.000000030e-01, v7;
	_ =	sdelay $0x1  }
0x90: {  	v7 =	vmax.f32 v7, v8  }
0x91: {  	v7 =	vsub.f32 v7, v5;
	_ =	sdelay $0x1  }
0x92: {  	v7 =	vmul.f32 $1.442695020e+00, v7;
	_ =	sdelay $0x1  }
0x93: {  	(erf) = vpow2.f32 v7;
	_ =	sdelay $0x8  }
0x94: {  	v7 =	vpop (erf)  }
0x95: {  	v6 =	vmul.f32 v7, v6  }
0x96: {  	[tilespmem:$0x78E0] =	vst v7  }
0x97: {  	[tilespmem:$0x7960] =	vst v6  }
0x98: {  	v6 =	vld [tilespmem:s28+$0x70]  }
0x99: {  	v7 =	vld [tilespmem:s28+$0x2870];
	_ =	sdelay $0x6  }
0x9a: {  	v6 =	vld.idx.msk [tilespmem:v6+s17+$0x0], $0xffff  }
0x9b: {  	v7 =	vld.idx.msk [tilespmem:v7+s17+$0x0], $0xffff;
	_ =	sdelay $0x4  }
0x9c: {  	v63 =	vmul.f32 v6, v3;
	v7 =	vmul.f32 v7, v4;
	_ =	sdelay $0x1  }
0x9d: {  	v7 =	vadd.f32 v7, v63;
	_ =	sdelay $0x1  }
0x9e: {  	v8 =	vmul.f32 $2.000000030e-01, v7;
	_ =	sdelay $0x1  }
0x9f: {  	v7 =	vmax.f32 v7, v8  }
0xa0: {  	v7 =	vsub.f32 v7, v5;
	_ =	sdelay $0x1  }
0xa1: {  	v7 =	vmul.f32 $1.442695020e+00, v7;
	_ =	sdelay $0x1  }
0xa2: {  	(erf) = vpow2.f32 v7;
	_ =	sdelay $0x8  }
0xa3: {  	v7 =	vpop (erf)  }
0xa4: {  	v6 =	vmul.f32 v7, v6  }
0xa5: {  	[tilespmem:$0x78F0] =	vst v7  }
0xa6: {  	s28 =	sadd.s32 $0x2800, s28;
	[tilespmem:$0x7970] =	vst v6  }
0xa7: {  	[spmem:s3] =	stream.indirect.scatter.add.f32 [tilespmem:s21], [sflag:$0x1], $0x1, s28, s20, $0xb8;
	[tilespmem:$0x7E80] =	vst v63  }
0xa8: {  	_ =	swait.ge [sflag:s15], $0x80  }
0xa9: {  	p0 =	sne.s32 s26, $0x9E00;
	[sflag:s15] =	ssyncset.done $0x0  }
.Ltmp0:
0xaa: {  	[sflag:s15] =	ssyncadd.s32 $0xFFFFFF80;
	(pc) =	sbr.rel @p0 .LBB2_2-.Ltmp0, $4  }
0xab: {  	[spmem:s2] =	stream.indirect.scatter.add.f32 [tilespmem:s22], [sflag:$0x1], $0x1, s28, s20, $0xb8;
	[tilespmem:$0x7E80] =	vst v63  }
0xac: {  	_ =	swait.ge [sflag:s15], $0x80  }
0xad: {  	[sflag:s15] =	ssyncset.done $0x0  }
0xae: {  	s26 =	sadd.s32 $0x200, s26;
	[sflag:s15] =	ssyncadd.s32 $0xFFFFFF80  }
0xaf: {  	[bflag:$0x0] =	sbarrier.arrive $0xFFFF  }
0xb0: {  	[hbm:s11@s23], [sflag:s8] =	dma.strided [spmem:s14@s24], $0x50, s15, $0x10   }
0xb1: {  	s25 =	sadd.s32 $0x1, s25;
	_ =	swait.ge [sflag:s15], $0x50  }
0xb2: {  	p0 =	sne.s32 s25, s13;
	[sflag:s15] =	ssyncset.done $0x0  }
.Ltmp1:
0xb3: {  	[sflag:s15] =	ssyncadd.s32 $0xFFFFFFB0;
	(pc) =	sbr.rel @p0 .LBB2_1-.Ltmp1, $4  }
0xb4: {  	[hbm:s12@s23], [sflag:s8] =	dma.strided [spmem:s16@s24], $0x50, s15, $0x10   }
0xb5: {  	_ =	swait.ge [sflag:s15], $0x50  }
0xb6: {  	[sflag:s15] =	ssyncset.done $0x0  }
0xb7: {  	[sflag:s15] =	ssyncadd.s32 $0xFFFFFFB0  }
0xb8: {  	_ =	sfence.sel $0x180000  }
0xb9: {  	[bflag:$0x0] =	sbarrier.arrive $0xFFFF  }
0xba: {  	p0 =	sne.s32 s0, $0x0;
	_ =	strace $0x9000004A  }
0xbb: {  	s0 =	sadd.s32 @!p0 $0x100000, s1;
	[bflag:$0x2] =	sbarrier.arrive $0xFFFF  }
0xbc: {  	[sflag:s0] =	ssyncadd.tile.s32 @!p0 $0x1;
	_ =	shalt  }
.Lfunc_end2:
_tile_overlayer_lowered:
.L_overlay_start_2:
0xbd: {  	(tag) =	ssettag $0x2  }
0xbe: {  	s0 =	rddreg [dreg:$0x0];
	s2 =	stileid.u32  }
0xbf: {  	s1 =	rddreg [dreg:$0x1];
	p0 =	sne.s32 s2, $0x0  }
0xc0: {  	s3 =	rddreg [dreg:$0x2];
	[bflag:$0x3] =	sbarrier.arrive $0xFFFF;
	s2 =	simm.s32 @!p0 $0x1C01  }
0xc1: {  	[timem:s3], [sflag:s2] =	dma.local @!p0 [hbm:s0], s1  }
0xc2: {  	s0 =	simm.s32 @!p0 $0x1  }
0xc3: {  	_ =	swait.ge @!p0 [sflag:s0], s1  }
0xc4: {  	s1 =	ssub.s32 @!p0 $0x0, s1;
	[sflag:s0] =	ssyncset.done @!p0 $0x0  }
0xc5: {  	[sflag:s0] =	ssyncadd.s32 @!p0 s1  }
0xc6: {  	[bflag:$0x3] =	sbarrier.arrive $0xFFFF  }
0xc7: {  	_ =	shalt  }

// kernel: kernel.7.cloned.1.call-start
scs
__scs_entry_jumppad:
0x0: {  	(pc) =	sbr.rel $0x88, $3  }
0x1: {  	(tag) =	ssettag $0x0;
	lr =	simm.s32 $0x1  }
0x2: {  	[smem:$0x3F97] =	sst lr;
	_ =	strace $0xD0000000  }
0x3: {  	_ = 	snop  }
0x4: {  	_ = 	snop  }
0x5: {  	_ = 	snop  }
0x6: {  	_ = 	snop  }
0x7: {  	_ = 	snop  }
__scs_overlays_trampoline_lowered:
0x8: {  	[smem:$0x3FA6] =	sst s0  }
0x9: {  	[smem:$0x3FA7] =	sst s1  }
0xa: {  	[smem:$0x3FA8] =	sst s2  }
0xb: {  	[smem:$0x3FA9] =	sst s3  }
0xc: {  	[smem:$0x3FAA] =	sst s4  }
0xd: {  	[smem:$0x3FAB] =	sst s5  }
0xe: {  	[smem:$0x3FAC] =	sst s6  }
0xf: {  	[smem:$0x3FAD] =	sst s7  }
0x10: {  	[smem:$0x3FAE] =	sst s8  }
0x11: {  	[smem:$0x3FAF] =	sst s9;
	s0 =	simm.s32 @!p0 $0x0  }
0x12: {  	s1 =	sld [smem:$0x3F95];
	s0 =	simm.s32 @p0 $0x1  }
0x13: {  	[smem:$0x3FB0] =	sst s0;
	s0 =	simm.s32 @!p1 $0x0  }
0x14: {  	s2 =	sld [smem:$0x3F94];
	s0 =	simm.s32 @p1 $0x1  }
0x15: {  	[smem:$0x3FB1] =	sst s0;
	s0 =	simm.s32 @!p2 $0x0  }
0x16: {  	s3 =	sld [smem:$0x3FDB];
	s0 =	simm.s32 @p2 $0x1  }
0x17: {  	s4 =	simm.s32 $0x1BF5;
	[smem:$0x3FB3] =	sst s0  }
0x18: {  	s0 =	sld [smem:$0x3F96];
	_ =	swait.ge [sflag:s4], $0x0  }
0x19: {  	s7 =	sld [smem:$0x3F97]  }
0x1a: {  	s8 =	sadd.s32 $0xFFFFE003, lr  }
0x1b: {  	s9 =	sadd.s32 $0xFFFFFEF7, lr;
	s5 =	simm.s32 $0xFFFFFFFF;
	p2 =	slt.u32 s8, $0xFFFFF086  }
0x1c: {  	p1 =	slt.u32 s9, $0xF7A;
	s5 =	simm.s32 @!p2 $0x0  }
0x1d: {  	s5 =	simm.s32 @p1 $0x1;
	p0 =	seq.s32 s7, s2  }
0x1e: {  	s7 =	smul.u32 @!p0 $0xF7A, s2;
	p2 =	seq.s32 @!p0 s5, $0x0  }
0x1f: {  	s9 =	smul.u32 $0xF7A, s1;
	s8 =	simm.s32 @!p0 $0x1BF5;
	p2 =	por !p2, p0  }
0x20: {  	[sflag:s8] =	ssyncset.s32 @!p0 $0xFFFFF086;
	s6 =	sadd.s32 @!p0 s3, s7;
	s7 =	simm.s32 @!p0 $0x108  }
0x21: {  	s3 =	sadd.s32 s3, s9;
	s6 =	sadd.s32 @!p0 $0x88, s6;
	s7 =	simm.s32 @p2 $0x1082  }
0x22: {  	[simem:s7], [sflag:s8] =	dma.local @!p0 [hbm:s6], $0xF7A  }
0x23: {  	s9 =	sor.u32 $0xD0000000, s2;
	s6 =	simm.s32 $0x108;
	_ =	swait.ge @!p0 [sflag:s8], $0x0  }
0x24: {  	s3 =	sadd.s32 $0x88, s3;
	s6 =	simm.s32 @!p1 $0x1082;
	[sflag:s4] =	ssyncset.s32 $0xFFFFF086  }
0x25: {  	[simem:s6], [sflag:s4] =	dma.local [hbm:s3], $0xF7A  }
0x26: {  	[smem:$0x3F97] =	sst s1;
	(tag) =	ssettag s2;
	_ =	strace s9  }
0x27: {  	s1 =	sld [smem:$0x3FA7]  }
0x28: {  	s2 =	sld [smem:$0x3FA8]  }
0x29: {  	s4 =	sld [smem:$0x3FAA]  }
0x2a: {  	p0 =	seq.s32 s5, $0x0;
	s5 =	sld [smem:$0x3FAB]  }
0x2b: {  	s6 =	sld [smem:$0x3FAC]  }
0x2c: {  	s7 =	sld [smem:$0x3FAD]  }
0x2d: {  	s3 =	simm.s32 $0x108;
	s8 =	sld [smem:$0x3FAE]  }
0x2e: {  	s3 =	simm.s32 @!p0 $0x1082;
	s9 =	sld [smem:$0x3FAF]  }
0x2f: {  	lr =	sadd.s32 s0, s3;
	s0 =	sld [smem:$0x3FA6]  }
0x30: {  	s3 =	sld [smem:$0x3FA9]  }
0x31: {  	[smem:$0x3FB2] =	sst s10  }
0x32: {  	s10 =	sld [smem:$0x3FB0];
	_ =	sdelay $0x3  }
0x33: {  	p0 =	seq.s32 s10, $0x1;
	s10 =	sld [smem:$0x3FB2];
	_ =	sdelay $0x3  }
0x34: {  	[smem:$0x3FB2] =	sst s10  }
0x35: {  	s10 =	sld [smem:$0x3FB1];
	_ =	sdelay $0x3  }
0x36: {  	p1 =	seq.s32 s10, $0x1;
	s10 =	sld [smem:$0x3FB2];
	_ =	sdelay $0x3  }
0x37: {  	[smem:$0x3FB2] =	sst s10  }
0x38: {  	s10 =	sld [smem:$0x3FB3]  }
0x39: {  	_ = 	snop;
	(pc) =	sbr.ind lr, $3  }
0x3a: {  	_ = 	snop  }
0x3b: {  	_ = 	snop  }
0x3c: {  	p2 =	seq.s32 s10, $0x1;
	s10 =	sld [smem:$0x3FB2]  }
0x3d: {  	_ =	shalt  }
0x3e: {  	_ =	shalt  }
0x3f: {  	_ =	shalt  }
0x40: {  	_ =	shalt  }
0x41: {  	_ =	shalt  }
0x42: {  	_ =	shalt  }
0x43: {  	_ =	shalt  }
0x44: {  	_ =	shalt  }
0x45: {  	_ =	shalt  }
0x46: {  	_ =	shalt  }
0x47: {  	_ =	shalt  }
0x48: {  	_ =	shalt  }
0x49: {  	_ =	shalt  }
0x4a: {  	_ =	shalt  }
0x4b: {  	_ =	shalt  }
0x4c: {  	_ =	shalt  }
0x4d: {  	_ =	shalt  }
0x4e: {  	_ =	shalt  }
0x4f: {  	_ =	shalt  }
0x50: {  	_ =	shalt  }
0x51: {  	_ =	shalt  }
0x52: {  	_ =	shalt  }
0x53: {  	_ =	shalt  }
0x54: {  	_ =	shalt  }
0x55: {  	_ =	shalt  }
0x56: {  	_ =	shalt  }
0x57: {  	_ =	shalt  }
0x58: {  	_ =	shalt  }
0x59: {  	_ =	shalt  }
0x5a: {  	_ =	shalt  }
0x5b: {  	_ =	shalt  }
0x5c: {  	_ =	shalt  }
0x5d: {  	_ =	shalt  }
0x5e: {  	_ =	shalt  }
0x5f: {  	_ =	shalt  }
0x60: {  	_ =	shalt  }
0x61: {  	_ =	shalt  }
0x62: {  	_ =	shalt  }
0x63: {  	_ =	shalt  }
0x64: {  	_ =	shalt  }
0x65: {  	_ =	shalt  }
0x66: {  	_ =	shalt  }
0x67: {  	_ =	shalt  }
0x68: {  	_ =	shalt  }
0x69: {  	_ =	shalt  }
0x6a: {  	_ =	shalt  }
0x6b: {  	_ =	shalt  }
0x6c: {  	_ =	shalt  }
0x6d: {  	_ =	shalt  }
0x6e: {  	_ =	shalt  }
0x6f: {  	_ =	shalt  }
0x70: {  	_ =	shalt  }
0x71: {  	_ =	shalt  }
0x72: {  	_ =	shalt  }
0x73: {  	_ =	shalt  }
0x74: {  	_ =	shalt  }
0x75: {  	_ =	shalt  }
0x76: {  	_ =	shalt  }
0x77: {  	_ =	shalt  }
0x78: {  	_ =	shalt  }
0x79: {  	_ =	shalt  }
0x7a: {  	_ =	shalt  }
0x7b: {  	_ =	shalt  }
0x7c: {  	_ =	shalt  }
0x7d: {  	_ =	shalt  }
0x7e: {  	_ =	shalt  }
0x7f: {  	_ =	shalt  }
0x80: {  	_ =	shalt  }
0x81: {  	_ =	shalt  }
0x82: {  	_ =	shalt  }
0x83: {  	_ =	shalt  }
0x84: {  	_ =	shalt  }
0x85: {  	_ =	shalt  }
0x86: {  	_ =	shalt  }
0x87: {  	_ =	shalt  }
.Lfunc_end0:
.L_simem_size_0:
called_computation_lowered:
.L_overlay_start_0:
0x88: {  	s2 =	sld [smem:$0x3FD9]  }
0x89: {  	s3 =	sld [smem:$0x3FFE];
	_ =	sdelay $0x1  }
0x8a: {  	s1 =	srdreg.scid  }
0x8b: {  	s0 =	sand.u32 $0x1, s1  }
0x8c: {  	s17 =	sshll.u32 s0, $0xA;
	s2 =	sadd.s32 s3, s2  }
0x8d: {  	s2 =	sadd.s32 s2, s17  }
0x8e: {  	[smem:$0x3FBE] =	sst s2  }
0x8f: {  	_ = 	snop  }
0x90: {  	s2 =	sld [smem:$0x3FD0];
	(tm) =	ssettm $0x1  }
0x91: {  	s18 =	sld [smem:$0x3FFB];
	_ =	sdelay $0x3  }
0x92: {  	_ =	strace s18  }
0x93: {  	s3 =	sld [smem:$0x3FFC];
	_ =	sdelay $0x3  }
0x94: {  	_ =	strace s3  }
0x95: {  	s3 =	sld [smem:$0x3FFD];
	_ =	sdelay $0x3  }
0x96: {  	_ =	strace s3  }
0x97: {  	_ =	strace $0x8FFFFFFF  }
0x98: {  	s19 =	sld [smem:$0x3FDB];
	_ =	sdelay $0x1  }
0x99: {  	s4 =	simm.s32 $_scs_section_size  }
0x9a: {  	s5 =	simm.s32 $_size__tile_overlayer_lowered;
	s6 =	simm.s32 $_tile_overlayer_lowered  }
0x9b: {  	s22 =	simm.s32 $0x1BFF;
	s21 =	sshll.u32 s6, $0x1;
	s3 =	sadd.s32 s4, s19  }
0x9c: {  	s7 =	simm.s32 $0x0;
	s20 =	sshll.u32 s5, $0x1;
	s5 =	sadd.s32 s21, s3  }
0x9d: {  	[timem:s7], [sflag:s22] =	dma.local [hbm:s5], s20  }
0x9e: {  	_ =	swait.ge [sflag:s22], s20  }
0x9f: {  	s4 =	ssub.s32 $0x0, s20;
	[sflag:s22] =	ssyncset.done $0x0  }
0xa0: {  	[sflag:s22] =	ssyncadd.s32 s4;
	_ =	sdelay $0x1  }
0xa1: {  	s23 =	simm.s32 $0x1B8B  }
0xa2: {  	_ =	swait.ge [sflag:s23], $0x1  }
0xa3: {  	[sflag:s23] =	ssyncset.done $0x0  }
0xa4: {  	s25 =	simm.s32 $0x1B8E;
	s24 =	sld [smem:$0x3FFE];
	[sflag:s23] =	ssyncadd.s32 $0xFFFFFFFF  }
0xa5: {  	s26 =	simm.s32 $execute0_lowered;
	[smem:$0x3FD2] =	sst s25  }
0xa6: {  	s5 =	sshll.u32 s26, $0x1;
	_ =	strace $0x80000046;
	[dreg:$0x1] =	wrdreg $0xFFFFFFFF  }
0xa7: {  	s28 =	simm.s32 $_size_execute0_lowered;
	s3 =	sadd.s32 s3, s5;
	[dreg:$0x0] =	wrdreg $0x0  }
0xa8: {  	s5 =	sshll.u32 s28, $0x1;
	[dreg:$0x2] =	wrdreg s3  }
0xa9: {  	[dreg:$0x3] =	wrdreg s5  }
0xaa: {  	[dreg:$0x4] =	wrdreg $0xC0  }
0xab: {  	_ =	task [dreg:s7], $0x5FFFF  }
0xac: {  	[dreg:$0x1] =	wrdreg $0xFFFFFFFF  }
0xad: {  	[dreg:$0x0] =	wrdreg $0x60  }
0xae: {  	[dreg:$0x2] =	wrdreg s24  }
0xaf: {  	[dreg:$0x3] =	wrdreg s2  }
0xb0: {  	[dreg:$0x4] =	wrdreg $0x59100  }
0xb1: {  	[dreg:$0x5] =	wrdreg $0x199100  }
0xb2: {  	[dreg:$0x6] =	wrdreg $0x9  }
0xb3: {  	_ =	task.clear_ibuf [dreg:s7], $0x7FFFF;
	_ =	strace $0x90000046  }
0xb4: {  	s29 =	simm.s32 $0x9;
	_ =	strace $0x80000048  }
0xb5: {  	_ =	swait.ge [sflag:s29], $0x1  }
0xb6: {  	[sflag:s29] =	ssyncadd.s32 $0xFFFFFFFF  }
0xb7: {  	_ =	strace $0x90000048  }
0xb8: {  	_ =	sfence  }
0xb9: {  	s30 =	sld [smem:$0x0];
	_ =	sdelay $0x2  }
0xba: {  	s31 =	sshll.u32 s1, $0xD;
	s1 =	sshrl.u32 s1, $0x2  }
0xbb: {  	s3 =	sand.u32 $0x4000, s31;
	s1 =	sadd.s32 s1, s30  }
0xbc: {  	s0 =	sor.u32 s3, s0;
	s1 =	sshll.u32 s1, $0x11  }
0xbd: {  	s0 =	sor.u32 s1, s0  }
0xbe: {  	s0 =	sadd.s32 $0x8F2B, s0  }
0xbf: {  	[sflag:s0] =	ssyncadd.remote.s32 $0x1  }
0xc0: {  	_ =	sfence.sel $0xFFFF  }
0xc1: {  	[dreg:$0x0] =	wrdreg $0xFFFFFFFF;
	(pc) =	sbr.abs _section_cstart, $3  }
0xc2: {  	[dreg:$0x1] =	wrdreg $0xFFFFFFFF  }
0xc3: {  	_ =	task.clear_ibuf [dreg:s7], $0x2FFFF;
	_ =	strace $0x9FFFFFFF  }
0xc4: {  	(tm) =	ssettm $0x7FFFFFFF  }
0xc5: {  	_ =	shalt  }
tec
execute0_lowered:
.L_overlay_start_1:
0x0: {  	(tag) =	ssettag $0x1  }
0x1: {  	s10 =	rddreg [dreg:$0x0]  }
0x2: {  	s1 =	rddreg [dreg:$0x1]  }
0x3: {  	s2 =	rddreg [dreg:$0x2]  }
0x4: {  	s3 =	rddreg [dreg:$0x3];
	s5 =	simm.s32 $0x0  }
0x5: {  	s4 =	stileid.u32;
	s8 =	srdreg.scid;
	s21 =	simm.s32 $0x80  }
0x6: {  	s22 =	simm.s32 $0x100;
	s23 =	simm.s32 $0x900;
	s24 =	simm.s32 $0x1900  }
0x7: {  	s25 =	simm.s32 $0x1100;
	s26 =	simm.s32 $0x0;
	[smem:$0x7FF] =	sst s5  }
0x8: {  	s6 =	sadd.s32 $0x38A00, s10;
	s11 =	smul.u32 $0x14000, s4;
	s7 =	sadd.s32 $0x2EA00, s10  }
0x9: {  	s12 =	smul.u32 $0x2800, s4;
	s13 =	sand.u32 $0x1, s8;
	s8 =	sadd.s32 $0x29A00, s10  }
0xa: {  	s9 =	sadd.s32 $0x1A00, s10;
	s29 =	sshll.u32 s4, $0x1;
	s14 =	smul.u32 $0x140000, s13  }
0xb: {  	s31 =	sshll.u32 s4, $0x6;
	_ =	strace $0x80000047;
	s17 =	smul.u32 $0x28000, s13  }
0xc: {  	s18 =	ssub.s32 $0x2, s13;
	s13 =	sor.u32 s13, s29;
	s15 =	sshrl.u32 s11, $0x3  }
0xd: {  	s16 =	sshrl.u32 s12, $0x3;
	s19 =	sshrl.u32 s18, $0x1;
	s30 =	sadd.s32 s11, s2  }
0xe: {  	s20 =	sadd.s32 s12, s3;
	s13 =	smul.u32 $0x50, s13;
	s15 =	sadd.s32 s15, s10  }
0xf: {  	s16 =	sadd.s32 s16, s10;
	s14 =	sadd.s32 s11, s14;
	s17 =	sadd.s32 s12, s17  }
0x10: {  	s18 =	ssub.s32 s18, s19;
	s11 =	sor.u32 $0x1C01, s31;
	s19 =	sshrl.u32 s20, $0x3  }
0x11: {  	v0 =	vlaneseq.u32;
	s20 =	simm.s32 $0x5900;
	s14 =	sshrl.u32 s14, $0x3;
	s17 =	sshrl.u32 s17, $0x3  }
0x12: {  	v1 =	vimm.s32 $0x0;
	v2 =	vimm.s32 $0x1;
	v3 =	vimm.s32 $0x2;
	s12 =	sadd.s32 $0x7EA00, s16;
	s16 =	smax.u32 s18, $0x1;
	s18 =	simm.s32 $0x1  }
0x13: {  	v4 =	vimm.s32 $0x3;
	v5 =	vimm.s32 $0x4;
	v6 =	vimm.s32 $0x5;
	s14 =	sadd.s32 s14, s10;
	s17 =	sadd.s32 s17, s10;
	s10 =	sadd.s32 $0x56A00, s15  }
0x14: {  	v7 =	vimm.s32 $0x6;
	v8 =	vimm.s32 $0x7;
	v0 =	vor.u32 $0x8, v0;
	s14 =	sadd.s32 $0x8DA00, s14;
	s15 =	sadd.s32 $0x83A00, s17;
	s17 =	sshrl.u32 s30, $0x3  }
.LBB2_1:
0x15: {  	[spmem:s17], [sflag:s11] =	dma.local [hbm:s10], $0x2800  }
0x16: {  	_ =	swait.ge [sflag:s18], $0x2800  }
0x17: {  	[sflag:s18] =	ssyncset.done $0x0  }
0x18: {  	[sflag:s18] =	ssyncadd.s32 $0xFFFFD800  }
0x19: {  	[spmem:s19], [sflag:s11] =	dma.local [hbm:s12], $0x500  }
0x1a: {  	_ =	swait.ge [sflag:s18], $0x500  }
0x1b: {  	[sflag:s18] =	ssyncset.done $0x0  }
0x1c: {  	[sflag:s18] =	ssyncadd.s32 $0xFFFFFB00  }
0x1d: {  	[tilespmem:s20], [sflag:$0x1] =	stream.linear.gather [hbm4b:s1+s5], $0x10, $0x38;
	[tilespmem:$0x1C110] =	vst v63  }
0x1e: {  	_ =	swait.ge [sflag:s18], $0x10  }
0x1f: {  	[sflag:s18] =	ssyncset.done $0x0  }
0x20: {  	[sflag:s18] =	ssyncadd.s32 $0xFFFFFFF0  }
0x21: {  	[bflag:$0x0] =	sbarrier.arrive $0xFFFF  }
0x22: {  	s28 =	simm.s32 $0x0;
	v9 =	vld [tilespmem:$0x5900]  }
.LBB2_2:
0x23: {  	s29 =	sadd.s32 s13, s28  }
0x24: {  	s29 =	sshll.u32 s29, $0x4  }
0x25: {  	s31 =	simm.s32 $0x0;
	s30 =	sadd.s32 s6, s29  }
0x26: {  	[tilespmem:s31], [sflag:$0x1] =	stream.linear.gather [hbm4b:s30+s31], $0x80, $0x38;
	[tilespmem:$0x1C110] =	vst v63  }
0x27: {  	_ =	swait.ge [sflag:s18], $0x80  }
0x28: {  	[sflag:s18] =	ssyncset.done $0x0  }
0x29: {  	s29 =	sadd.s32 s7, s29;
	[sflag:s18] =	ssyncadd.s32 $0xFFFFFF80  }
0x2a: {  	[tilespmem:s21], [sflag:$0x1] =	stream.linear.gather [hbm4b:s29+s31], $0x80, $0x38;
	[tilespmem:$0x1C110] =	vst v63  }
0x2b: {  	_ =	swait.ge [sflag:s18], $0x80  }
0x2c: {  	[sflag:s18] =	ssyncset.done $0x0  }
0x2d: {  	[sflag:s18] =	ssyncadd.s32 $0xFFFFFF80  }
0x2e: {  	[tilespmem:s22], [sflag:$0x1] =	stream.indirect.gather [hbm4b:s8+s21], $0x10, s31, s21, $0xb8;
	[tilespmem:$0x1C110] =	vst v63  }
0x2f: {  	_ =	swait.ge [sflag:s18], $0x800  }
0x30: {  	[sflag:s18] =	ssyncset.done $0x0  }
0x31: {  	[sflag:s18] =	ssyncadd.s32 $0xFFFFF800  }
0x32: {  	[tilespmem:s23], [sflag:$0x1] =	stream.indirect.gather [hbm4b:s8+s21], $0x10, s21, s21, $0xb8;
	[tilespmem:$0x1C110] =	vst v63  }
0x33: {  	_ =	swait.ge [sflag:s18], $0x800  }
0x34: {  	[sflag:s18] =	ssyncset.done $0x0  }
0x35: {  	[sflag:s18] =	ssyncadd.s32 $0xFFFFF800  }
0x36: {  	[tilespmem:s24], [sflag:$0x1] =	stream.indirect.gather [hbm4b:s9+s21], $0x80, s31, s21, $0xb8;
	[tilespmem:$0x1C110] =	vst v63  }
0x37: {  	_ =	swait.ge [sflag:s18], $0x4000  }
0x38: {  	[sflag:s18] =	ssyncset.done $0x0  }
0x39: {  	s30 =	simm.s32 $0x0;
	[sflag:s18] =	ssyncadd.s32 $0xFFFFC000  }
0x3a: {  	v10 =	vld [tilespmem:s30+$0x900];
	_ =	sdelay $0x1  }
0x3b: {  	v11 =	vld [tilespmem:s30+$0x100];
	_ =	sdelay $0x2  }
0x3c: {  	v10 =	vperm.xlane v10, v0;
	_ =	sdelay $0x1  }
0x3d: {  	v10 =	vadd.f32 v10, v11;
	_ =	sdelay $0x1  }
0x3e: {  	v11 =	vmul.f32 $2.000000030e-01, v10;
	_ =	sdelay $0x1  }
0x3f: {  	v10 =	vmax.f32 v10, v11  }
0x40: {  	v10 =	vsub.f32 v10, v9;
	_ =	sdelay $0x1  }
0x41: {  	v10 =	vmul.f32 $1.442695020e+00, v10;
	_ =	sdelay $0x1  }
0x42: {  	(erf) = vpow2.f32 v10;
	_ =	sdelay $0x8  }
0x43: {  	v10 =	vpop (erf)  }
0x44: {  	s29 =	simm.s32 $0x1940;
	[tilespmem:s30+$0x1100] =	vst v10  }
0x45: {  	v18 =	vld [tilespmem:s29+$0x30]  }
0x46: {  	v16 =	vld [tilespmem:s29+$0x10]  }
0x47: {  	v15 =	vld [tilespmem:s29+$0xFFFFFFE0]  }
0x48: {  	v20 =	vperm.xlane v10, v8;
	v14 =	vld [tilespmem:s29+$0xFFFFFFF0]  }
0x49: {  	v11 =	vperm.xlane v10, v4;
	v19 =	vperm.xlane v10, v6;
	v12 =	vld [tilespmem:s29+$0x0]  }
0x4a: {  	s31 =	simm.s32 $0x1940;
	s30 =	simm.s32 $0x40;
	v17 =	vperm.xlane v10, v3;
	v13 =	vld [tilespmem:s29+$0x20];
	v18 =	vmul.f32 v20, v18  }
.LBB2_3:
0x4b: {  	p0 =	sne.s32 s30, $0x1FC0  }
0x4c: {  	v20 =	vld [tilespmem:s29+$0xFFFFFFD0];
	v16 =	vmul.f32 v19, v16;
	s31 =	sadd.s32 $0x80, s31;
	s0 =	smov.u32 s30;
	s30 =	sadd.s32 $0x40, s30  }
0x4d: {  	v19 =	vld [tilespmem:s29+$0xFFFFFFC0];
	v15 =	vmul.f32 v17, v15;
	v17 =	vperm.xlane v10, v5;
	[tilespmem:s29+$0x30] =	vst v18  }
0x4e: {  	v11 =	vmul.f32 v11, v14;
	[tilespmem:s29+$0x10] =	vst v16;
	v14 =	vperm.xlane v10, v7  }
0x4f: {  	v16 =	vperm.xlane v10, v2;
	[tilespmem:s29+$0xFFFFFFE0] =	vst v15;
	v12 =	vmul.f32 v17, v12  }
0x50: {  	v10 =	vperm.xlane v10, v1;
	[tilespmem:s29+$0xFFFFFFF0] =	vst v11;
	v11 =	vmul.f32 v14, v13  }
0x51: {  	v13 =	vmul.f32 v16, v20;
	[tilespmem:s29+$0x0] =	vst v12  }
0x52: {  	v10 =	vmul.f32 v10, v19;
	[tilespmem:s29+$0x20] =	vst v11  }
0x53: {  	s0 =	sshra.s32 s0, $0x2;
	[tilespmem:s29+$0xFFFFFFD0] =	vst v13  }
0x54: {  	[tilespmem:s29+$0xFFFFFFC0] =	vst v10;
	s29 =	smov.u32 s31  }
0x55: {  	v10 =	vld [tilespmem:s0+$0x900]  }
0x56: {  	v11 =	vld [tilespmem:s0+$0x100];
	_ =	sdelay $0x3  }
0x57: {  	v10 =	vperm.xlane v10, v0;
	_ =	sdelay $0x1  }
0x58: {  	v10 =	vadd.f32 v10, v11;
	_ =	sdelay $0x1  }
0x59: {  	v11 =	vmul.f32 $2.000000030e-01, v10;
	_ =	sdelay $0x1  }
0x5a: {  	v10 =	vmax.f32 v10, v11  }
0x5b: {  	v10 =	vsub.f32 v10, v9;
	_ =	sdelay $0x1  }
0x5c: {  	v10 =	vmul.f32 $1.442695020e+00, v10;
	_ =	sdelay $0x1  }
0x5d: {  	(erf) = vpow2.f32 v10;
	_ =	sdelay $0x8  }
0x5e: {  	v10 =	vpop (erf)  }
0x5f: {  	[tilespmem:s0+$0x1100] =	vst v10;
	v11 =	vperm.xlane v10, v4  }
0x60: {  	v18 =	vld [tilespmem:s31+$0x30]  }
.Ltmp0:
0x61: {  	v16 =	vld [tilespmem:s31+$0x10];
	(pc) =	sbr.rel @p0 .LBB2_3-.Ltmp0, $4  }
0x62: {  	v20 =	vperm.xlane v10, v8;
	v15 =	vld [tilespmem:s31+$0xFFFFFFE0]  }
0x63: {  	v14 =	vld [tilespmem:s31+$0xFFFFFFF0]  }
0x64: {  	v19 =	vperm.xlane v10, v6;
	v12 =	vld [tilespmem:s31+$0x0]  }
0x65: {  	v17 =	vperm.xlane v10, v3;
	v13 =	vld [tilespmem:s31+$0x20];
	v18 =	vmul.f32 v20, v18  }
0x66: {  	v20 =	vld [tilespmem:s29+$0xFFFFFFD0];
	v16 =	vmul.f32 v19, v16  }
0x67: {  	v59 =	vld [tilespmem:s29+$0xFFFFFFC0];
	v60 =	vperm.xlane v10, v5;
	v15 =	vmul.f32 v17, v15;
	[tilespmem:s29+$0x30] =	vst v18  }
0x68: {  	v61 =	vperm.xlane v10, v7;
	v11 =	vmul.f32 v11, v14;
	[tilespmem:s29+$0x10] =	vst v16  }
0x69: {  	v62 =	vperm.xlane v10, v2;
	[tilespmem:s29+$0xFFFFFFE0] =	vst v15;
	v12 =	vmul.f32 v60, v12  }
0x6a: {  	v10 =	vperm.xlane v10, v1;
	[tilespmem:s29+$0xFFFFFFF0] =	vst v11;
	v11 =	vmul.f32 v61, v13  }
0x6b: {  	v63 =	vmul.f32 v62, v20;
	[tilespmem:s29+$0x0] =	vst v12  }
0x6c: {  	v10 =	vmul.f32 v10, v59;
	[tilespmem:s29+$0x20] =	vst v11  }
0x6d: {  	[tilespmem:s29+$0xFFFFFFD0] =	vst v63  }
0x6e: {  	[tilespmem:s29+$0xFFFFFFC0] =	vst v10  }
0x6f: {  	[spmem:s2] =	stream.indirect.scatter.add.f32 [tilespmem:s24], [sflag:$0x1], $0x80, s21, s21, $0xb8;
	[tilespmem:$0x1C110] =	vst v63  }
0x70: {  	s28 =	sadd.s32 $0x1, s28;
	_ =	swait.ge [sflag:s18], $0x4000  }
0x71: {  	p0 =	sne.s32 s28, $0x50;
	[sflag:s18] =	ssyncset.done $0x0  }
.Ltmp1:
0x72: {  	[sflag:s18] =	ssyncadd.s32 $0xFFFFC000;
	(pc) =	sbr.rel @p0 .LBB2_2-.Ltmp1, $4  }
0x73: {  	[spmem:s3] =	stream.indirect.scatter.add.f32 [tilespmem:s25], [sflag:$0x1], $0x10, s21, s21, $0xb8;
	[tilespmem:$0x1C110] =	vst v63  }
0x74: {  	_ =	swait.ge [sflag:s18], $0x800  }
0x75: {  	[sflag:s18] =	ssyncset.done $0x0  }
0x76: {  	[sflag:s18] =	ssyncadd.s32 $0xFFFFF800  }
0x77: {  	[bflag:$0x0] =	sbarrier.arrive $0xFFFF  }
0x78: {  	[hbm:s14], [sflag:s11] =	dma.local [spmem:s17], $0x2800  }
0x79: {  	s26 =	sadd.s32 $0x1, s26;
	_ =	swait.ge [sflag:s18], $0x2800  }
0x7a: {  	p0 =	sne.s32 s26, s16;
	[sflag:s18] =	ssyncset.done $0x0  }
.Ltmp2:
0x7b: {  	[sflag:s18] =	ssyncadd.s32 $0xFFFFD800;
	(pc) =	sbr.rel @p0 .LBB2_1-.Ltmp2, $4  }
0x7c: {  	[hbm:s15], [sflag:s11] =	dma.local [spmem:s19], $0x500  }
0x7d: {  	_ =	swait.ge [sflag:s18], $0x500  }
0x7e: {  	[sflag:s18] =	ssyncset.done $0x0  }
0x7f: {  	[sflag:s18] =	ssyncadd.s32 $0xFFFFFB00  }
0x80: {  	_ =	sfence.sel $0x180000  }
0x81: {  	[bflag:$0x0] =	sbarrier.arrive $0xFFFF  }
0x82: {  	_ =	strace $0x90000047  }
0x83: {  	[bflag:$0x2] =	sbarrier.arrive $0xFFFF  }
0x84: {  	p0 =	sne.s32 s4, $0x0;
	s0 =	rddreg [dreg:$0x4]  }
0x85: {  	s0 =	sadd.s32 @!p0 $0x100000, s0  }
0x86: {  	[sflag:s0] =	ssyncadd.tile.s32 @!p0 $0x1;
	_ =	shalt  }
.Lfunc_end2:
_tile_overlayer_lowered:
.L_overlay_start_2:
0x87: {  	(tag) =	ssettag $0x2  }
0x88: {  	s0 =	rddreg [dreg:$0x0];
	s2 =	stileid.u32  }
0x89: {  	s1 =	rddreg [dreg:$0x1];
	p0 =	sne.s32 s2, $0x0  }
0x8a: {  	s3 =	rddreg [dreg:$0x2];
	[bflag:$0x3] =	sbarrier.arrive $0xFFFF;
	s2 =	simm.s32 @!p0 $0x1C01  }
0x8b: {  	[timem:s3], [sflag:s2] =	dma.local @!p0 [hbm:s0], s1  }
0x8c: {  	s0 =	simm.s32 @!p0 $0x1  }
0x8d: {  	_ =	swait.ge @!p0 [sflag:s0], s1  }
0x8e: {  	s1 =	ssub.s32 @!p0 $0x0, s1;
	[sflag:s0] =	ssyncset.done @!p0 $0x0  }
0x8f: {  	[sflag:s0] =	ssyncadd.s32 @!p0 s1  }
0x90: {  	[bflag:$0x3] =	sbarrier.arrive $0xFFFF  }
0x91: {  	_ =	shalt  }

</sc_bundles>
